<compile_context>
chip_gen: v7x
topology: tpu7x:2x2x1
jax: 0.10.2.dev20260603
libtpu: 0.0.44.dev20260713+nightly
codegen_flags: <defaults>
</compile_context>

<pallas_src>
import functools

import jax
import jax.numpy as jnp
from jax import lax
from jax.experimental import pallas as pl
from jax.experimental.pallas import tpu as pltpu
from jax.experimental.pallas import tpu_sc as plsc

B, N, F = 4096, 64, 9
VOCAB, EMB = 100, 128
R = B * N
NC, NS = 2, 16
NW = NC * NS
C = 128
NP = 4
NT = NP + 1
RSC = 131072
RW = RSC // NW
NCHUNK = RW // C
NBLK = RSC // C
TCR = 1024


def _pair_body(w0_ref, w1_ref, out_ref):
    out_ref[...] = w0_ref[...] + w1_ref[...]


@functools.cache
def _build_pair_tables():
    return pl.pallas_call(
        _pair_body,
        grid=(NP,),
        in_specs=[
            pl.BlockSpec((1, VOCAB, 1, EMB), lambda p: (p, 0, 0, 0)),
            pl.BlockSpec((1, 1, VOCAB, EMB), lambda p: (p, 0, 0, 0)),
        ],
        out_specs=pl.BlockSpec((1, VOCAB, VOCAB, EMB), lambda p: (p, 0, 0, 0)),
        out_shape=jax.ShapeDtypeStruct((NP, VOCAB, VOCAB, EMB), jnp.float32),
    )


def _onehot_body(nf_ref, w_ref, out_ref):
    iota = lax.broadcasted_iota(jnp.int32, (1, 128), 1)
    oh = [
        (nf_ref[:, f][:, None] == iota).astype(jnp.bfloat16) for f in range(F)
    ]
    ohc = jnp.concatenate(oh, axis=1)
    out_ref[...] = jnp.dot(ohc, w_ref[...], preferred_element_type=jnp.float32)


@functools.cache
def _build_onehot_kernel():
    rows_tc = R - RSC
    return pl.pallas_call(
        _onehot_body,
        grid=(rows_tc // TCR,),
        in_specs=[
            pl.BlockSpec((TCR, F), lambda i: (i, 0)),
            pl.BlockSpec((F * 128, EMB), lambda i: (0, 0)),
        ],
        out_specs=pl.BlockSpec((TCR, EMB), lambda i: (i, 0)),
        out_shape=jax.ShapeDtypeStruct((rows_tc, EMB), jnp.float32),
    )


@functools.cache
def _build_sc_kernel():
    mesh = plsc.VectorSubcoreMesh(core_axis_name="c", subcore_axis_name="s")

    @functools.partial(
        pl.kernel,
        out_type=jax.ShapeDtypeStruct((RSC, EMB), jnp.float32),
        mesh=mesh,
        scratch_types=[
            pltpu.VMEM((2, F, C), jnp.int32),
            pltpu.VMEM((NT, C), jnp.int32),
            pltpu.VMEM((NT, C, EMB), jnp.float32),
            pltpu.VMEM((2, C), jnp.int32),
            pltpu.VMEM_SHARED((2 * NS * C, EMB), jnp.float32),
            pltpu.SemaphoreType.DMA,
            pltpu.SemaphoreType.DMA,
            pltpu.SemaphoreType.DMA,
            pltpu.SemaphoreType.DMA,
            pltpu.SemaphoreType.DMA,
            pltpu.SemaphoreType.DMA,
            pltpu.SemaphoreType.DMA,
            pltpu.SemaphoreType.DMA,
            pltpu.SemaphoreType.DMA,
            pltpu.SemaphoreType.DMA,
            pltpu.SemaphoreType.DMA,
            pltpu.SemaphoreType.DMA,
        ],
    )
    def emb_kernel(nf_hbm, pair_hbm, w8_hbm, out_hbm,
                   nfv, idxv, gbuf, idconst, acc,
                   isem, osem, g0, g1, g2, g3, g4, s0, s1, s2, s3, s4):
        gsems = (g0, g1, g2, g3, g4)
        ssems = (s0, s1, s2, s3, s4)
        cid = lax.axis_index("c")
        sid = lax.axis_index("s")
        wid = sid * NC + cid
        lane = lax.broadcasted_iota(jnp.int32, (16,), 0)
        for b in range(2):
            for i in range(C // 16):
                idconst[b, pl.ds(i * 16, 16)] = lane + (b * NS * C + sid * C + i * 16)

        def table_ref(f):
            src = pair_hbm if f < NP else w8_hbm
            return src.at[idxv.at[f]]

        def fire_nf(ci):
            blk = jnp.minimum(wid * NCHUNK + ci, NBLK - 1)
            pltpu.async_copy(nf_hbm.at[blk], nfv.at[ci % 2], isem)

        def acc_slice(bank):
            return acc.at[pl.ds(bank * NS * C + sid * C, C), :]

        def out_slices(ci):
            blk = wid * NCHUNK + ci
            return acc_slice(ci % 2), out_hbm.at[pl.ds(blk * C, C), :]

        fire_nf(0)

        def chunk_body(ci, carry):
            bank = ci % 2
            pltpu.make_async_copy(nf_hbm.at[0], nfv.at[bank], isem).wait()
            @pl.when(ci >= 2)
            def _():
                src, dst = out_slices(ci - 2)
                pltpu.make_async_copy(src, dst, osem).wait()

            for f in range(NT):
                for t in range(C // 16):
                    sl = pl.ds(t * 16, 16)
                    if f < NP:
                        a = nfv[bank, 2 * f, sl]
                        b = nfv[bank, 2 * f + 1, sl]
                        idxv[f, sl] = a * VOCAB + b + f * (VOCAB * VOCAB)
                    else:
                        idxv[f, sl] = nfv[bank, 2 * NP, sl]
                pltpu.async_copy(table_ref(f), gbuf.at[f], gsems[f])
            fire_nf(ci + 1)
            pltpu.make_async_copy(table_ref(0), gbuf.at[0], gsems[0]).wait()
            pltpu.async_copy(gbuf.at[0], acc.at[idconst.at[bank]], ssems[0])
            pltpu.make_async_copy(gbuf.at[0], acc.at[idconst.at[bank]],
                                  ssems[0]).wait()
            for f in range(1, NT):
                pltpu.make_async_copy(table_ref(f), gbuf.at[f], gsems[f]).wait()
                pltpu.async_copy(gbuf.at[f], acc.at[idconst.at[bank]], ssems[f],
                                 add=True)
            for f in range(1, NT):
                pltpu.make_async_copy(gbuf.at[f], acc.at[idconst.at[bank]],
                                      ssems[f]).wait()
            src, dst = out_slices(ci)
            pltpu.async_copy(src, dst, osem)
            return carry

        lax.fori_loop(0, NCHUNK, chunk_body, 0)

        for ci in (NCHUNK - 2, NCHUNK - 1):
            src, dst = out_slices(ci)
            pltpu.make_async_copy(src, dst, osem).wait()
        pltpu.make_async_copy(nf_hbm.at[0], nfv.at[NCHUNK % 2], isem).wait()

    return emb_kernel


@jax.jit
def kernel(node_feature, W):
    nf = node_feature.astype(jnp.int32).reshape(R, F)
    nf_sc = nf[:RSC].reshape(NBLK, C, F).transpose(0, 2, 1)
    pairs = _build_pair_tables()(
        W[0:2 * NP:2].reshape(NP, VOCAB, 1, EMB),
        W[1:2 * NP:2].reshape(NP, 1, VOCAB, EMB),
    ).reshape(NP * VOCAB * VOCAB, EMB)
    sc_out = _build_sc_kernel()(nf_sc, pairs, W[2 * NP])
    wpad = jnp.pad(W, ((0, 0), (0, 128 - VOCAB), (0, 0))) \
        .reshape(F * 128, EMB).astype(jnp.bfloat16)
    tc_out = _build_onehot_kernel()(nf[RSC:], wpad)
    return jnp.concatenate([sc_out, tc_out], axis=0).reshape(B, N, EMB)

# --- scband reference (transcript-rebuilt; emitter-appended) ---
"""Pipeline reference for scband-initial-embedding-30322469110180 (READ-ONLY COPY).

The authoritative reference and input builder live on the scoring server;
editing this copy changes nothing except your own understanding.
"""

import jax, jax.numpy as jnp
import numpy as np

B, N, F = 4096, 64, 9
VOCAB, EMB = 100, 128

def setup_inputs(seed: int = 0) -> dict:
    key = jax.random.key(seed)
    k1, k2 = jax.random.split(key)
    node_feature = jax.random.randint(k1, (B, N, F), 0, VOCAB)
    # F separate nn.Embedding tables, xavier-uniform-like init, stacked into one array
    bound = float(np.sqrt(6.0 / (VOCAB + EMB)))
    W = jax.random.uniform(k2, (F, VOCAB, EMB), dtype=jnp.float32, minval=-bound, maxval=bound)
    return {"node_feature": node_feature, "W": W}

def reference(node_feature, W):
    # NodeFeatureEmbedding.forward: sum over per-feature embedding lookups
    num_feat = W.shape[0]
    out = jnp.zeros(node_feature.shape[:2] + (W.shape[-1],), dtype=W.dtype)
    for i in range(num_feat):
        out = out + jnp.take(W[i], node_feature[:, :, i], axis=0)
    return out

if __name__ == "__main__":
    import jax
    _d = setup_inputs()
    print(jax.jit(kernel)(*tuple(_d.values())))

</pallas_src>

<mosaic_0001>
#map = affine_map<(d0, d1) -> (0, 0, 0)>
#map1 = affine_map<(d0, d1) -> (0, 0)>
module attributes {stable_mosaic.version = 14 : i64} {
  func.func @emb_kernel(%arg0: i32, %arg1: i32, %arg2: memref<1024x9x128xi32, #tpu.memory_space<hbm>>, %arg3: memref<40000x128xf32, #tpu.memory_space<hbm>>, %arg4: memref<100x128xf32, #tpu.memory_space<hbm>>, %arg5: memref<131072x128xf32, #tpu.memory_space<hbm>>, %arg6: memref<2x9x128xi32, #tpu.memory_space<vmem>>, %arg7: memref<5x128xi32, #tpu.memory_space<vmem>>, %arg8: memref<5x128x128xf32, #tpu.memory_space<vmem>>, %arg9: memref<2x128xi32, #tpu.memory_space<vmem>>, %arg10: memref<4096x128xf32, #tpu.memory_space<vmem_shared>>, %arg11: memref<!tpu.dma_semaphore, #tpu.memory_space<semaphore_mem>>, %arg12: memref<!tpu.dma_semaphore, #tpu.memory_space<semaphore_mem>>, %arg13: memref<!tpu.dma_semaphore, #tpu.memory_space<semaphore_mem>>, %arg14: memref<!tpu.dma_semaphore, #tpu.memory_space<semaphore_mem>>, %arg15: memref<!tpu.dma_semaphore, #tpu.memory_space<semaphore_mem>>, %arg16: memref<!tpu.dma_semaphore, #tpu.memory_space<semaphore_mem>>, %arg17: memref<!tpu.dma_semaphore, #tpu.memory_space<semaphore_mem>>, %arg18: memref<!tpu.dma_semaphore, #tpu.memory_space<semaphore_mem>>, %arg19: memref<!tpu.dma_semaphore, #tpu.memory_space<semaphore_mem>>, %arg20: memref<!tpu.dma_semaphore, #tpu.memory_space<semaphore_mem>>, %arg21: memref<!tpu.dma_semaphore, #tpu.memory_space<semaphore_mem>>, %arg22: memref<!tpu.dma_semaphore, #tpu.memory_space<semaphore_mem>>) attributes {dimension_semantics = [#tpu.dimension_semantics<core_parallel>, #tpu.dimension_semantics<subcore_parallel>], iteration_bounds = array<i64: 2, 16>, scalar_prefetch = 0 : i64, scratch_operands = 17 : i64, tpu.core_type = #tpu.core_type<sc_vector_subcore>, window_params = [{transform_indices = #map}, {transform_indices = #map1}, {transform_indices = #map1}, {transform_indices = #map1}]} {
    %mul3A = arith.constant 2 : i32
    %mul3A_0 = arith.muli %arg1, %mul3A : i32
    %add3A = arith.addi %mul3A_0, %arg0 : i32
    %iota3A = tpu.iota {dimensions = array<i32: 0>} : vector<16xi32>
    %mul3A_1 = arith.constant 128 : i32
    %mul3A_2 = arith.muli %arg1, %mul3A_1 : i32
    %add3A_3 = arith.constant 0 : i32
    %add3A_4 = arith.addi %add3A_3, %mul3A_2 : i32
    %add3A_5 = arith.constant 0 : i32
    %add3A_6 = arith.addi %add3A_4, %add3A_5 : i32
    %add3A_7 = vector.broadcast %add3A_6 : i32 to vector<16xi32>
    %add3A_8 = arith.addi %iota3A, %add3A_7 : vector<16xi32>
    %swap3A = arith.constant 0 : i32
    %swap3A_9 = arith.index_cast %swap3A : i32 to index
    %swap3A_10 = arith.constant 0 : index
    %swap3A_11 = tpu.vector_load %arg9[%swap3A_9, %swap3A_10] {strides = array<i32>} : memref<2x128xi32, #tpu.memory_space<vmem>>, vector<1x16xi32>,
    %swap3A_12 = vector.shape_cast %swap3A_11 : vector<1x16xi32> to vector<16xi32>
    %swap3A_13 = vector.shape_cast %add3A_8 : vector<16xi32> to vector<1x16xi32>
    tpu.vector_store %arg9[%swap3A_9, %swap3A_10], %swap3A_13 {strides = array<i32>} : memref<2x128xi32, #tpu.memory_space<vmem>>, vector<1x16xi32>,
    %mul3A_14 = arith.constant 128 : i32
    %mul3A_15 = arith.muli %arg1, %mul3A_14 : i32
    %add3A_16 = arith.constant 0 : i32
    %add3A_17 = arith.addi %add3A_16, %mul3A_15 : i32
    %add3A_18 = arith.constant 16 : i32
    %add3A_19 = arith.addi %add3A_17, %add3A_18 : i32
    %add3A_20 = vector.broadcast %add3A_19 : i32 to vector<16xi32>
    %add3A_21 = arith.addi %iota3A, %add3A_20 : vector<16xi32>
    %swap3A_22 = arith.constant 0 : i32
    %swap3A_23 = arith.index_cast %swap3A_22 : i32 to index
    %swap3A_24 = arith.constant 16 : index
    %swap3A_25 = tpu.vector_load %arg9[%swap3A_23, %swap3A_24] {strides = array<i32>} : memref<2x128xi32, #tpu.memory_space<vmem>>, vector<1x16xi32>,
    %swap3A_26 = vector.shape_cast %swap3A_25 : vector<1x16xi32> to vector<16xi32>
    %swap3A_27 = vector.shape_cast %add3A_21 : vector<16xi32> to vector<1x16xi32>
    tpu.vector_store %arg9[%swap3A_23, %swap3A_24], %swap3A_27 {strides = array<i32>} : memref<2x128xi32, #tpu.memory_space<vmem>>, vector<1x16xi32>,
    %mul3A_28 = arith.constant 128 : i32
    %mul3A_29 = arith.muli %arg1, %mul3A_28 : i32
    %add3A_30 = arith.constant 0 : i32
    %add3A_31 = arith.addi %add3A_30, %mul3A_29 : i32
    %add3A_32 = arith.constant 32 : i32
    %add3A_33 = arith.addi %add3A_31, %add3A_32 : i32
    %add3A_34 = vector.broadcast %add3A_33 : i32 to vector<16xi32>
    %add3A_35 = arith.addi %iota3A, %add3A_34 : vector<16xi32>
    %swap3A_36 = arith.constant 0 : i32
    %swap3A_37 = arith.index_cast %swap3A_36 : i32 to index
    %swap3A_38 = arith.constant 32 : index
    %swap3A_39 = tpu.vector_load %arg9[%swap3A_37, %swap3A_38] {strides = array<i32>} : memref<2x128xi32, #tpu.memory_space<vmem>>, vector<1x16xi32>,
    %swap3A_40 = vector.shape_cast %swap3A_39 : vector<1x16xi32> to vector<16xi32>
    %swap3A_41 = vector.shape_cast %add3A_35 : vector<16xi32> to vector<1x16xi32>
    tpu.vector_store %arg9[%swap3A_37, %swap3A_38], %swap3A_41 {strides = array<i32>} : memref<2x128xi32, #tpu.memory_space<vmem>>, vector<1x16xi32>,
    %mul3A_42 = arith.constant 128 : i32
    %mul3A_43 = arith.muli %arg1, %mul3A_42 : i32
    %add3A_44 = arith.constant 0 : i32
    %add3A_45 = arith.addi %add3A_44, %mul3A_43 : i32
    %add3A_46 = arith.constant 48 : i32
    %add3A_47 = arith.addi %add3A_45, %add3A_46 : i32
    %add3A_48 = vector.broadcast %add3A_47 : i32 to vector<16xi32>
    %add3A_49 = arith.addi %iota3A, %add3A_48 : vector<16xi32>
    %swap3A_50 = arith.constant 0 : i32
    %swap3A_51 = arith.index_cast %swap3A_50 : i32 to index
    %swap3A_52 = arith.constant 48 : index
    %swap3A_53 = tpu.vector_load %arg9[%swap3A_51, %swap3A_52] {strides = array<i32>} : memref<2x128xi32, #tpu.memory_space<vmem>>, vector<1x16xi32>,
    %swap3A_54 = vector.shape_cast %swap3A_53 : vector<1x16xi32> to vector<16xi32>
    %swap3A_55 = vector.shape_cast %add3A_49 : vector<16xi32> to vector<1x16xi32>
    tpu.vector_store %arg9[%swap3A_51, %swap3A_52], %swap3A_55 {strides = array<i32>} : memref<2x128xi32, #tpu.memory_space<vmem>>, vector<1x16xi32>,
    %mul3A_56 = arith.constant 128 : i32
    %mul3A_57 = arith.muli %arg1, %mul3A_56 : i32
    %add3A_58 = arith.constant 0 : i32
    %add3A_59 = arith.addi %add3A_58, %mul3A_57 : i32
    %add3A_60 = arith.constant 64 : i32
    %add3A_61 = arith.addi %add3A_59, %add3A_60 : i32
    %add3A_62 = vector.broadcast %add3A_61 : i32 to vector<16xi32>
    %add3A_63 = arith.addi %iota3A, %add3A_62 : vector<16xi32>
    %swap3A_64 = arith.constant 0 : i32
    %swap3A_65 = arith.index_cast %swap3A_64 : i32 to index
    %swap3A_66 = arith.constant 64 : index
    %swap3A_67 = tpu.vector_load %arg9[%swap3A_65, %swap3A_66] {strides = array<i32>} : memref<2x128xi32, #tpu.memory_space<vmem>>, vector<1x16xi32>,
    %swap3A_68 = vector.shape_cast %swap3A_67 : vector<1x16xi32> to vector<16xi32>
    %swap3A_69 = vector.shape_cast %add3A_63 : vector<16xi32> to vector<1x16xi32>
    tpu.vector_store %arg9[%swap3A_65, %swap3A_66], %swap3A_69 {strides = array<i32>} : memref<2x128xi32, #tpu.memory_space<vmem>>, vector<1x16xi32>,
    %mul3A_70 = arith.constant 128 : i32
    %mul3A_71 = arith.muli %arg1, %mul3A_70 : i32
    %add3A_72 = arith.constant 0 : i32
    %add3A_73 = arith.addi %add3A_72, %mul3A_71 : i32
    %add3A_74 = arith.constant 80 : i32
    %add3A_75 = arith.addi %add3A_73, %add3A_74 : i32
    %add3A_76 = vector.broadcast %add3A_75 : i32 to vector<16xi32>
    %add3A_77 = arith.addi %iota3A, %add3A_76 : vector<16xi32>
    %swap3A_78 = arith.constant 0 : i32
    %swap3A_79 = arith.index_cast %swap3A_78 : i32 to index
    %swap3A_80 = arith.constant 80 : index
    %swap3A_81 = tpu.vector_load %arg9[%swap3A_79, %swap3A_80] {strides = array<i32>} : memref<2x128xi32, #tpu.memory_space<vmem>>, vector<1x16xi32>,
    %swap3A_82 = vector.shape_cast %swap3A_81 : vector<1x16xi32> to vector<16xi32>
    %swap3A_83 = vector.shape_cast %add3A_77 : vector<16xi32> to vector<1x16xi32>
    tpu.vector_store %arg9[%swap3A_79, %swap3A_80], %swap3A_83 {strides = array<i32>} : memref<2x128xi32, #tpu.memory_space<vmem>>, vector<1x16xi32>,
    %mul3A_84 = arith.constant 128 : i32
    %mul3A_85 = arith.muli %arg1, %mul3A_84 : i32
    %add3A_86 = arith.constant 0 : i32
    %add3A_87 = arith.addi %add3A_86, %mul3A_85 : i32
    %add3A_88 = arith.constant 96 : i32
    %add3A_89 = arith.addi %add3A_87, %add3A_88 : i32
    %add3A_90 = vector.broadcast %add3A_89 : i32 to vector<16xi32>
    %add3A_91 = arith.addi %iota3A, %add3A_90 : vector<16xi32>
    %swap3A_92 = arith.constant 0 : i32
    %swap3A_93 = arith.index_cast %swap3A_92 : i32 to index
    %swap3A_94 = arith.constant 96 : index
    %swap3A_95 = tpu.vector_load %arg9[%swap3A_93, %swap3A_94] {strides = array<i32>} : memref<2x128xi32, #tpu.memory_space<vmem>>, vector<1x16xi32>,
    %swap3A_96 = vector.shape_cast %swap3A_95 : vector<1x16xi32> to vector<16xi32>
    %swap3A_97 = vector.shape_cast %add3A_91 : vector<16xi32> to vector<1x16xi32>
    tpu.vector_store %arg9[%swap3A_93, %swap3A_94], %swap3A_97 {strides = array<i32>} : memref<2x128xi32, #tpu.memory_space<vmem>>, vector<1x16xi32>,
    %mul3A_98 = arith.constant 128 : i32
    %mul3A_99 = arith.muli %arg1, %mul3A_98 : i32
    %add3A_100 = arith.constant 0 : i32
    %add3A_101 = arith.addi %add3A_100, %mul3A_99 : i32
    %add3A_102 = arith.constant 112 : i32
    %add3A_103 = arith.addi %add3A_101, %add3A_102 : i32
    %add3A_104 = vector.broadcast %add3A_103 : i32 to vector<16xi32>
    %add3A_105 = arith.addi %iota3A, %add3A_104 : vector<16xi32>
    %swap3A_106 = arith.constant 0 : i32
    %swap3A_107 = arith.index_cast %swap3A_106 : i32 to index
    %swap3A_108 = arith.constant 112 : index
    %swap3A_109 = tpu.vector_load %arg9[%swap3A_107, %swap3A_108] {strides = array<i32>} : memref<2x128xi32, #tpu.memory_space<vmem>>, vector<1x16xi32>,
    %swap3A_110 = vector.shape_cast %swap3A_109 : vector<1x16xi32> to vector<16xi32>
    %swap3A_111 = vector.shape_cast %add3A_105 : vector<16xi32> to vector<1x16xi32>
    tpu.vector_store %arg9[%swap3A_107, %swap3A_108], %swap3A_111 {strides = array<i32>} : memref<2x128xi32, #tpu.memory_space<vmem>>, vector<1x16xi32>,
    %mul3A_112 = arith.constant 128 : i32
    %mul3A_113 = arith.muli %arg1, %mul3A_112 : i32
    %add3A_114 = arith.constant 2048 : i32
    %add3A_115 = arith.addi %add3A_114, %mul3A_113 : i32
    %add3A_116 = arith.constant 0 : i32
    %add3A_117 = arith.addi %add3A_115, %add3A_116 : i32
    %add3A_118 = vector.broadcast %add3A_117 : i32 to vector<16xi32>
    %add3A_119 = arith.addi %iota3A, %add3A_118 : vector<16xi32>
    %swap3A_120 = arith.constant 1 : i32
    %swap3A_121 = arith.index_cast %swap3A_120 : i32 to index
    %swap3A_122 = arith.constant 0 : index
    %swap3A_123 = tpu.vector_load %arg9[%swap3A_121, %swap3A_122] {strides = array<i32>} : memref<2x128xi32, #tpu.memory_space<vmem>>, vector<1x16xi32>,
    %swap3A_124 = vector.shape_cast %swap3A_123 : vector<1x16xi32> to vector<16xi32>
    %swap3A_125 = vector.shape_cast %add3A_119 : vector<16xi32> to vector<1x16xi32>
    tpu.vector_store %arg9[%swap3A_121, %swap3A_122], %swap3A_125 {strides = array<i32>} : memref<2x128xi32, #tpu.memory_space<vmem>>, vector<1x16xi32>,
    %mul3A_126 = arith.constant 128 : i32
    %mul3A_127 = arith.muli %arg1, %mul3A_126 : i32
    %add3A_128 = arith.constant 2048 : i32
    %add3A_129 = arith.addi %add3A_128, %mul3A_127 : i32
    %add3A_130 = arith.constant 16 : i32
    %add3A_131 = arith.addi %add3A_129, %add3A_130 : i32
    %add3A_132 = vector.broadcast %add3A_131 : i32 to vector<16xi32>
    %add3A_133 = arith.addi %iota3A, %add3A_132 : vector<16xi32>
    %swap3A_134 = arith.constant 1 : i32
    %swap3A_135 = arith.index_cast %swap3A_134 : i32 to index
    %swap3A_136 = arith.constant 16 : index
    %swap3A_137 = tpu.vector_load %arg9[%swap3A_135, %swap3A_136] {strides = array<i32>} : memref<2x128xi32, #tpu.memory_space<vmem>>, vector<1x16xi32>,
    %swap3A_138 = vector.shape_cast %swap3A_137 : vector<1x16xi32> to vector<16xi32>
    %swap3A_139 = vector.shape_cast %add3A_133 : vector<16xi32> to vector<1x16xi32>
    tpu.vector_store %arg9[%swap3A_135, %swap3A_136], %swap3A_139 {strides = array<i32>} : memref<2x128xi32, #tpu.memory_space<vmem>>, vector<1x16xi32>,
    %mul3A_140 = arith.constant 128 : i32
    %mul3A_141 = arith.muli %arg1, %mul3A_140 : i32
    %add3A_142 = arith.constant 2048 : i32
    %add3A_143 = arith.addi %add3A_142, %mul3A_141 : i32
    %add3A_144 = arith.constant 32 : i32
    %add3A_145 = arith.addi %add3A_143, %add3A_144 : i32
    %add3A_146 = vector.broadcast %add3A_145 : i32 to vector<16xi32>
    %add3A_147 = arith.addi %iota3A, %add3A_146 : vector<16xi32>
    %swap3A_148 = arith.constant 1 : i32
    %swap3A_149 = arith.index_cast %swap3A_148 : i32 to index
    %swap3A_150 = arith.constant 32 : index
    %swap3A_151 = tpu.vector_load %arg9[%swap3A_149, %swap3A_150] {strides = array<i32>} : memref<2x128xi32, #tpu.memory_space<vmem>>, vector<1x16xi32>,
    %swap3A_152 = vector.shape_cast %swap3A_151 : vector<1x16xi32> to vector<16xi32>
    %swap3A_153 = vector.shape_cast %add3A_147 : vector<16xi32> to vector<1x16xi32>
    tpu.vector_store %arg9[%swap3A_149, %swap3A_150], %swap3A_153 {strides = array<i32>} : memref<2x128xi32, #tpu.memory_space<vmem>>, vector<1x16xi32>,
    %mul3A_154 = arith.constant 128 : i32
    %mul3A_155 = arith.muli %arg1, %mul3A_154 : i32
    %add3A_156 = arith.constant 2048 : i32
    %add3A_157 = arith.addi %add3A_156, %mul3A_155 : i32
    %add3A_158 = arith.constant 48 : i32
    %add3A_159 = arith.addi %add3A_157, %add3A_158 : i32
    %add3A_160 = vector.broadcast %add3A_159 : i32 to vector<16xi32>
    %add3A_161 = arith.addi %iota3A, %add3A_160 : vector<16xi32>
    %swap3A_162 = arith.constant 1 : i32
    %swap3A_163 = arith.index_cast %swap3A_162 : i32 to index
    %swap3A_164 = arith.constant 48 : index
    %swap3A_165 = tpu.vector_load %arg9[%swap3A_163, %swap3A_164] {strides = array<i32>} : memref<2x128xi32, #tpu.memory_space<vmem>>, vector<1x16xi32>,
    %swap3A_166 = vector.shape_cast %swap3A_165 : vector<1x16xi32> to vector<16xi32>
    %swap3A_167 = vector.shape_cast %add3A_161 : vector<16xi32> to vector<1x16xi32>
    tpu.vector_store %arg9[%swap3A_163, %swap3A_164], %swap3A_167 {strides = array<i32>} : memref<2x128xi32, #tpu.memory_space<vmem>>, vector<1x16xi32>,
    %mul3A_168 = arith.constant 128 : i32
    %mul3A_169 = arith.muli %arg1, %mul3A_168 : i32
    %add3A_170 = arith.constant 2048 : i32
    %add3A_171 = arith.addi %add3A_170, %mul3A_169 : i32
    %add3A_172 = arith.constant 64 : i32
    %add3A_173 = arith.addi %add3A_171, %add3A_172 : i32
    %add3A_174 = vector.broadcast %add3A_173 : i32 to vector<16xi32>
    %add3A_175 = arith.addi %iota3A, %add3A_174 : vector<16xi32>
    %swap3A_176 = arith.constant 1 : i32
    %swap3A_177 = arith.index_cast %swap3A_176 : i32 to index
    %swap3A_178 = arith.constant 64 : index
    %swap3A_179 = tpu.vector_load %arg9[%swap3A_177, %swap3A_178] {strides = array<i32>} : memref<2x128xi32, #tpu.memory_space<vmem>>, vector<1x16xi32>,
    %swap3A_180 = vector.shape_cast %swap3A_179 : vector<1x16xi32> to vector<16xi32>
    %swap3A_181 = vector.shape_cast %add3A_175 : vector<16xi32> to vector<1x16xi32>
    tpu.vector_store %arg9[%swap3A_177, %swap3A_178], %swap3A_181 {strides = array<i32>} : memref<2x128xi32, #tpu.memory_space<vmem>>, vector<1x16xi32>,
    %mul3A_182 = arith.constant 128 : i32
    %mul3A_183 = arith.muli %arg1, %mul3A_182 : i32
    %add3A_184 = arith.constant 2048 : i32
    %add3A_185 = arith.addi %add3A_184, %mul3A_183 : i32
    %add3A_186 = arith.constant 80 : i32
    %add3A_187 = arith.addi %add3A_185, %add3A_186 : i32
    %add3A_188 = vector.broadcast %add3A_187 : i32 to vector<16xi32>
    %add3A_189 = arith.addi %iota3A, %add3A_188 : vector<16xi32>
    %swap3A_190 = arith.constant 1 : i32
    %swap3A_191 = arith.index_cast %swap3A_190 : i32 to index
    %swap3A_192 = arith.constant 80 : index
    %swap3A_193 = tpu.vector_load %arg9[%swap3A_191, %swap3A_192] {strides = array<i32>} : memref<2x128xi32, #tpu.memory_space<vmem>>, vector<1x16xi32>,
    %swap3A_194 = vector.shape_cast %swap3A_193 : vector<1x16xi32> to vector<16xi32>
    %swap3A_195 = vector.shape_cast %add3A_189 : vector<16xi32> to vector<1x16xi32>
    tpu.vector_store %arg9[%swap3A_191, %swap3A_192], %swap3A_195 {strides = array<i32>} : memref<2x128xi32, #tpu.memory_space<vmem>>, vector<1x16xi32>,
    %mul3A_196 = arith.constant 128 : i32
    %mul3A_197 = arith.muli %arg1, %mul3A_196 : i32
    %add3A_198 = arith.constant 2048 : i32
    %add3A_199 = arith.addi %add3A_198, %mul3A_197 : i32
    %add3A_200 = arith.constant 96 : i32
    %add3A_201 = arith.addi %add3A_199, %add3A_200 : i32
    %add3A_202 = vector.broadcast %add3A_201 : i32 to vector<16xi32>
    %add3A_203 = arith.addi %iota3A, %add3A_202 : vector<16xi32>
    %swap3A_204 = arith.constant 1 : i32
    %swap3A_205 = arith.index_cast %swap3A_204 : i32 to index
    %swap3A_206 = arith.constant 96 : index
    %swap3A_207 = tpu.vector_load %arg9[%swap3A_205, %swap3A_206] {strides = array<i32>} : memref<2x128xi32, #tpu.memory_space<vmem>>, vector<1x16xi32>,
    %swap3A_208 = vector.shape_cast %swap3A_207 : vector<1x16xi32> to vector<16xi32>
    %swap3A_209 = vector.shape_cast %add3A_203 : vector<16xi32> to vector<1x16xi32>
    tpu.vector_store %arg9[%swap3A_205, %swap3A_206], %swap3A_209 {strides = array<i32>} : memref<2x128xi32, #tpu.memory_space<vmem>>, vector<1x16xi32>,
    %mul3A_210 = arith.constant 128 : i32
    %mul3A_211 = arith.muli %arg1, %mul3A_210 : i32
    %add3A_212 = arith.constant 2048 : i32
    %add3A_213 = arith.addi %add3A_212, %mul3A_211 : i32
    %add3A_214 = arith.constant 112 : i32
    %add3A_215 = arith.addi %add3A_213, %add3A_214 : i32
    %add3A_216 = vector.broadcast %add3A_215 : i32 to vector<16xi32>
    %add3A_217 = arith.addi %iota3A, %add3A_216 : vector<16xi32>
    %swap3A_218 = arith.constant 1 : i32
    %swap3A_219 = arith.index_cast %swap3A_218 : i32 to index
    %swap3A_220 = arith.constant 112 : index
    %swap3A_221 = tpu.vector_load %arg9[%swap3A_219, %swap3A_220] {strides = array<i32>} : memref<2x128xi32, #tpu.memory_space<vmem>>, vector<1x16xi32>,
    %swap3A_222 = vector.shape_cast %swap3A_221 : vector<1x16xi32> to vector<16xi32>
    %swap3A_223 = vector.shape_cast %add3A_217 : vector<16xi32> to vector<1x16xi32>
    tpu.vector_store %arg9[%swap3A_219, %swap3A_220], %swap3A_223 {strides = array<i32>} : memref<2x128xi32, #tpu.memory_space<vmem>>, vector<1x16xi32>,
    %mul3A_224 = arith.constant 32 : i32
    %mul3A_225 = arith.muli %add3A, %mul3A_224 : i32
    %add3A_226 = arith.constant 0 : i32
    %add3A_227 = arith.addi %mul3A_225, %add3A_226 : i32
    %min3A = arith.constant 1023 : i32
    %min3A_228 = arith.minsi %add3A_227, %min3A : i32
    %dma_start3A = arith.constant 0 : i32
    %dma_start3A_229 = arith.constant 0 : i32
    %dma_start3A_230 = arith.constant 0 : i32
    %dma_start3A_231 = tpu.memref_slice %arg6[%dma_start3A, %dma_start3A_229, %dma_start3A_230] : memref<2x9x128xi32, #tpu.memory_space<vmem>> -> memref<1x9x128xi32, #tpu.memory_space<vmem>>
    %dma_start3A_232 = tpu.memref_squeeze %dma_start3A_231 : memref<1x9x128xi32, #tpu.memory_space<vmem>> -> memref<9x128xi32, #tpu.memory_space<vmem>>
    %dma_start3A_233 = arith.constant 0 : i32
    %dma_start3A_234 = arith.constant 0 : i32
    %dma_start3A_235 = tpu.memref_slice %arg2[%min3A_228, %dma_start3A_233, %dma_start3A_234] : memref<1024x9x128xi32, #tpu.memory_space<hbm>> -> memref<1x9x128xi32, #tpu.memory_space<hbm>>
    %dma_start3A_236 = tpu.memref_squeeze %dma_start3A_235 : memref<1x9x128xi32, #tpu.memory_space<hbm>> -> memref<9x128xi32, #tpu.memory_space<hbm>>
    %dma_start3A_237 = arith.constant 0 : i32
    %dma_start3A_238 = arith.constant 0 : i32
    %dma_start3A_239 = tpu.memref_slice %arg6[%dma_start3A, %dma_start3A_237, %dma_start3A_238] : memref<2x9x128xi32, #tpu.memory_space<vmem>> -> memref<1x9x128xi32, #tpu.memory_space<vmem>>
    %dma_start3A_240 = tpu.memref_squeeze %dma_start3A_239 : memref<1x9x128xi32, #tpu.memory_space<vmem>> -> memref<9x128xi32, #tpu.memory_space<vmem>>
    %dma_start3A_241 = arith.constant 0 : i32
    %dma_start3A_242 = arith.constant 0 : i32
    %dma_start3A_243 = tpu.memref_slice %arg2[%min3A_228, %dma_start3A_241, %dma_start3A_242] : memref<1024x9x128xi32, #tpu.memory_space<hbm>> -> memref<1x9x128xi32, #tpu.memory_space<hbm>>
    %dma_start3A_244 = tpu.memref_squeeze %dma_start3A_243 : memref<1x9x128xi32, #tpu.memory_space<hbm>> -> memref<9x128xi32, #tpu.memory_space<hbm>>
    tpu.enqueue_dma source(%dma_start3A_244 : memref<9x128xi32, #tpu.memory_space<hbm>>) target(%dma_start3A_240 : memref<9x128xi32, #tpu.memory_space<vmem>>) target_semaphore(%arg11 : memref<!tpu.dma_semaphore, #tpu.memory_space<semaphore_mem>>)
    %scan3A = arith.constant 0 : i32
    %scan3A_245 = arith.constant 0 : i32
    %scan3A_246 = arith.constant 32 : i32
    %scan3A_247 = arith.addi %scan3A_245, %scan3A_246 : i32
    %scan3A_248 = arith.constant 1 : i32
    scf.for %scan3A_295 = %scan3A_245 to %scan3A_247 step %scan3A_248  : i32 {
      %jit3A = arith.constant 2 : i32
      %eq3A = arith.constant 0 : i32
      %eq3A_296 = arith.cmpi eq, %jit3A, %eq3A : i32
      %jit3A_297 = arith.constant 1 : i32
      %select_n3A = arith.select %eq3A_296, %jit3A_297, %jit3A : i32
      %rem3A = arith.remsi %scan3A_295, %select_n3A : i32
      %ne3A = arith.constant 0 : i32
      %ne3A_298 = arith.cmpi ne, %rem3A, %ne3A : i32
      %lt3A = arith.constant 0 : i32
      %lt3A_299 = arith.cmpi slt, %rem3A, %lt3A : i32
      %lt3A_300 = arith.constant 0 : i32
      %lt3A_301 = arith.cmpi slt, %select_n3A, %lt3A_300 : i32
      %ne3A_302 = arith.xori %lt3A_299, %lt3A_301 : i1
      %and3A = arith.andi %ne3A_302, %ne3A_298 : i1
      %add3A_303 = arith.addi %rem3A, %select_n3A : i32
      %select_n3A_304 = arith.select %and3A, %add3A_303, %rem3A : i32
      %dma_wait3A_305 = arith.constant 0 : i32
      %dma_wait3A_306 = arith.constant 0 : i32
      %dma_wait3A_307 = arith.constant 0 : i32
      %dma_wait3A_308 = tpu.memref_slice %arg6[%select_n3A_304, %dma_wait3A_306, %dma_wait3A_307] : memref<2x9x128xi32, #tpu.memory_space<vmem>> -> memref<1x9x128xi32, #tpu.memory_space<vmem>>
      %dma_wait3A_309 = tpu.memref_squeeze %dma_wait3A_308 : memref<1x9x128xi32, #tpu.memory_space<vmem>> -> memref<9x128xi32, #tpu.memory_space<vmem>>
      %dma_wait3A_310 = arith.constant 0 : i32
      %dma_wait3A_311 = arith.constant 0 : i32
      %dma_wait3A_312 = tpu.memref_slice %arg2[%dma_wait3A_305, %dma_wait3A_310, %dma_wait3A_311] : memref<1024x9x128xi32, #tpu.memory_space<hbm>> -> memref<1x9x128xi32, #tpu.memory_space<hbm>>
      %dma_wait3A_313 = tpu.memref_squeeze %dma_wait3A_312 : memref<1x9x128xi32, #tpu.memory_space<hbm>> -> memref<9x128xi32, #tpu.memory_space<hbm>>
      %dma_wait3A_314 = arith.constant 0 : i32
      %dma_wait3A_315 = arith.constant 0 : i32
      %dma_wait3A_316 = tpu.memref_slice %arg6[%select_n3A_304, %dma_wait3A_314, %dma_wait3A_315] : memref<2x9x128xi32, #tpu.memory_space<vmem>> -> memref<1x9x128xi32, #tpu.memory_space<vmem>>
      %dma_wait3A_317 = tpu.memref_squeeze %dma_wait3A_316 : memref<1x9x128xi32, #tpu.memory_space<vmem>> -> memref<9x128xi32, #tpu.memory_space<vmem>>
      %dma_wait3A_318 = arith.constant 0 : i32
      %dma_wait3A_319 = arith.constant 0 : i32
      %dma_wait3A_320 = tpu.memref_slice %arg2[%dma_wait3A_305, %dma_wait3A_318, %dma_wait3A_319] : memref<1024x9x128xi32, #tpu.memory_space<hbm>> -> memref<1x9x128xi32, #tpu.memory_space<hbm>>
      %dma_wait3A_321 = tpu.memref_squeeze %dma_wait3A_320 : memref<1x9x128xi32, #tpu.memory_space<hbm>> -> memref<9x128xi32, #tpu.memory_space<hbm>>
      tpu.wait_dma2 semaphore(%arg11 : memref<!tpu.dma_semaphore, #tpu.memory_space<semaphore_mem>>) src(%dma_wait3A_321 : memref<9x128xi32, #tpu.memory_space<hbm>>) dst(%dma_wait3A_317 : memref<9x128xi32, #tpu.memory_space<vmem>>)
      %ge3A = arith.constant 2 : i32
      %ge3A_322 = arith.cmpi sge, %scan3A_295, %ge3A : i32
      %convert_element_type3A = arith.extui %ge3A_322 : i1 to i32
      %cond3A = arith.constant 0 : i32
      %cond3A_323 = arith.cmpi ne, %convert_element_type3A, %cond3A : i32
      scf.if %cond3A_323 {
        %sub3A = arith.constant 2 : i32
        %sub3A_1520 = arith.subi %scan3A_295, %sub3A : i32
        %mul3A_1521 = arith.constant 32 : i32
        %mul3A_1522 = arith.muli %add3A, %mul3A_1521 : i32
        %add3A_1523 = arith.addi %mul3A_1522, %sub3A_1520 : i32
        %jit3A_1524 = arith.constant 2 : i32
        %eq3A_1525 = arith.constant 0 : i32
        %eq3A_1526 = arith.cmpi eq, %jit3A_1524, %eq3A_1525 : i32
        %jit3A_1527 = arith.constant 1 : i32
        %select_n3A_1528 = arith.select %eq3A_1526, %jit3A_1527, %jit3A_1524 : i32
        %rem3A_1529 = arith.remsi %sub3A_1520, %select_n3A_1528 : i32
        %ne3A_1530 = arith.constant 0 : i32
        %ne3A_1531 = arith.cmpi ne, %rem3A_1529, %ne3A_1530 : i32
        %lt3A_1532 = arith.constant 0 : i32
        %lt3A_1533 = arith.cmpi slt, %rem3A_1529, %lt3A_1532 : i32
        %lt3A_1534 = arith.constant 0 : i32
        %lt3A_1535 = arith.cmpi slt, %select_n3A_1528, %lt3A_1534 : i32
        %ne3A_1536 = arith.xori %lt3A_1533, %lt3A_1535 : i1
        %and3A_1537 = arith.andi %ne3A_1536, %ne3A_1531 : i1
        %add3A_1538 = arith.addi %rem3A_1529, %select_n3A_1528 : i32
        %select_n3A_1539 = arith.select %and3A_1537, %add3A_1538, %rem3A_1529 : i32
        %mul3A_1540 = arith.constant 16 : i32
        %mul3A_1541 = arith.muli %select_n3A_1539, %mul3A_1540 : i32
        %mul3A_1542 = arith.constant 128 : i32
        %mul3A_1543 = arith.muli %mul3A_1541, %mul3A_1542 : i32
        %mul3A_1544 = arith.constant 128 : i32
        %mul3A_1545 = arith.muli %arg1, %mul3A_1544 : i32
        %add3A_1546 = arith.addi %mul3A_1543, %mul3A_1545 : i32
        %mul3A_1547 = arith.constant 128 : i32
        %mul3A_1548 = arith.muli %add3A_1523, %mul3A_1547 : i32
        %dma_wait3A_1549 = arith.constant 0 : i32
        %dma_wait3A_1550 = tpu.memref_slice %arg5[%mul3A_1548, %dma_wait3A_1549] : memref<131072x128xf32, #tpu.memory_space<hbm>> -> memref<128x128xf32, #tpu.memory_space<hbm>>
        %dma_wait3A_1551 = arith.constant 0 : i32
        %dma_wait3A_1552 = tpu.memref_slice %arg10[%add3A_1546, %dma_wait3A_1551] : memref<4096x128xf32, #tpu.memory_space<vmem_shared>> -> memref<128x128xf32, #tpu.memory_space<vmem_shared>>
        tpu.wait_dma2 semaphore(%arg12 : memref<!tpu.dma_semaphore, #tpu.memory_space<semaphore_mem>>) src(%dma_wait3A_1552 : memref<128x128xf32, #tpu.memory_space<vmem_shared>>) dst(%dma_wait3A_1550 : memref<128x128xf32, #tpu.memory_space<hbm>>)
      } else {
      }
      %get3A = arith.constant 0 : i32
      %get3A_324 = arith.index_cast %select_n3A_304 : i32 to index
      %get3A_325 = arith.index_cast %get3A : i32 to index
      %get3A_326 = arith.constant 0 : index
      %get3A_327 = tpu.vector_load %arg6[%get3A_324, %get3A_325, %get3A_326] {strides = array<i32>} : memref<2x9x128xi32, #tpu.memory_space<vmem>>, vector<1x1x16xi32>,
      %get3A_328 = vector.shape_cast %get3A_327 : vector<1x1x16xi32> to vector<16xi32>
      %get3A_329 = arith.constant 1 : i32
      %get3A_330 = arith.index_cast %select_n3A_304 : i32 to index
      %get3A_331 = arith.index_cast %get3A_329 : i32 to index
      %get3A_332 = arith.constant 0 : index
      %get3A_333 = tpu.vector_load %arg6[%get3A_330, %get3A_331, %get3A_332] {strides = array<i32>} : memref<2x9x128xi32, #tpu.memory_space<vmem>>, vector<1x1x16xi32>,
      %get3A_334 = vector.shape_cast %get3A_333 : vector<1x1x16xi32> to vector<16xi32>
      %mul3A_335 = arith.constant 100 : i32
      %mul3A_336 = vector.broadcast %mul3A_335 : i32 to vector<16xi32>
      %mul3A_337 = arith.muli %get3A_328, %mul3A_336 : vector<16xi32>
      %add3A_338 = arith.addi %mul3A_337, %get3A_334 : vector<16xi32>
      %add3A_339 = arith.constant 0 : i32
      %add3A_340 = vector.broadcast %add3A_339 : i32 to vector<16xi32>
      %add3A_341 = arith.addi %add3A_338, %add3A_340 : vector<16xi32>
      %swap3A_342 = arith.constant 0 : i32
      %swap3A_343 = arith.index_cast %swap3A_342 : i32 to index
      %swap3A_344 = arith.constant 0 : index
      %swap3A_345 = tpu.vector_load %arg7[%swap3A_343, %swap3A_344] {strides = array<i32>} : memref<5x128xi32, #tpu.memory_space<vmem>>, vector<1x16xi32>,
      %swap3A_346 = vector.shape_cast %swap3A_345 : vector<1x16xi32> to vector<16xi32>
      %swap3A_347 = vector.shape_cast %add3A_341 : vector<16xi32> to vector<1x16xi32>
      tpu.vector_store %arg7[%swap3A_343, %swap3A_344], %swap3A_347 {strides = array<i32>} : memref<5x128xi32, #tpu.memory_space<vmem>>, vector<1x16xi32>,
      %get3A_348 = arith.constant 0 : i32
      %get3A_349 = arith.index_cast %select_n3A_304 : i32 to index
      %get3A_350 = arith.index_cast %get3A_348 : i32 to index
      %get3A_351 = arith.constant 16 : index
      %get3A_352 = tpu.vector_load %arg6[%get3A_349, %get3A_350, %get3A_351] {strides = array<i32>} : memref<2x9x128xi32, #tpu.memory_space<vmem>>, vector<1x1x16xi32>,
      %get3A_353 = vector.shape_cast %get3A_352 : vector<1x1x16xi32> to vector<16xi32>
      %get3A_354 = arith.constant 1 : i32
      %get3A_355 = arith.index_cast %select_n3A_304 : i32 to index
      %get3A_356 = arith.index_cast %get3A_354 : i32 to index
      %get3A_357 = arith.constant 16 : index
      %get3A_358 = tpu.vector_load %arg6[%get3A_355, %get3A_356, %get3A_357] {strides = array<i32>} : memref<2x9x128xi32, #tpu.memory_space<vmem>>, vector<1x1x16xi32>,
      %get3A_359 = vector.shape_cast %get3A_358 : vector<1x1x16xi32> to vector<16xi32>
      %mul3A_360 = arith.constant 100 : i32
      %mul3A_361 = vector.broadcast %mul3A_360 : i32 to vector<16xi32>
      %mul3A_362 = arith.muli %get3A_353, %mul3A_361 : vector<16xi32>
      %add3A_363 = arith.addi %mul3A_362, %get3A_359 : vector<16xi32>
      %add3A_364 = arith.constant 0 : i32
      %add3A_365 = vector.broadcast %add3A_364 : i32 to vector<16xi32>
      %add3A_366 = arith.addi %add3A_363, %add3A_365 : vector<16xi32>
      %swap3A_367 = arith.constant 0 : i32
      %swap3A_368 = arith.index_cast %swap3A_367 : i32 to index
      %swap3A_369 = arith.constant 16 : index
      %swap3A_370 = tpu.vector_load %arg7[%swap3A_368, %swap3A_369] {strides = array<i32>} : memref<5x128xi32, #tpu.memory_space<vmem>>, vector<1x16xi32>,
      %swap3A_371 = vector.shape_cast %swap3A_370 : vector<1x16xi32> to vector<16xi32>
      %swap3A_372 = vector.shape_cast %add3A_366 : vector<16xi32> to vector<1x16xi32>
      tpu.vector_store %arg7[%swap3A_368, %swap3A_369], %swap3A_372 {strides = array<i32>} : memref<5x128xi32, #tpu.memory_space<vmem>>, vector<1x16xi32>,
      %get3A_373 = arith.constant 0 : i32
      %get3A_374 = arith.index_cast %select_n3A_304 : i32 to index
      %get3A_375 = arith.index_cast %get3A_373 : i32 to index
      %get3A_376 = arith.constant 32 : index
      %get3A_377 = tpu.vector_load %arg6[%get3A_374, %get3A_375, %get3A_376] {strides = array<i32>} : memref<2x9x128xi32, #tpu.memory_space<vmem>>, vector<1x1x16xi32>,
      %get3A_378 = vector.shape_cast %get3A_377 : vector<1x1x16xi32> to vector<16xi32>
      %get3A_379 = arith.constant 1 : i32
      %get3A_380 = arith.index_cast %select_n3A_304 : i32 to index
      %get3A_381 = arith.index_cast %get3A_379 : i32 to index
      %get3A_382 = arith.constant 32 : index
      %get3A_383 = tpu.vector_load %arg6[%get3A_380, %get3A_381, %get3A_382] {strides = array<i32>} : memref<2x9x128xi32, #tpu.memory_space<vmem>>, vector<1x1x16xi32>,
      %get3A_384 = vector.shape_cast %get3A_383 : vector<1x1x16xi32> to vector<16xi32>
      %mul3A_385 = arith.constant 100 : i32
      %mul3A_386 = vector.broadcast %mul3A_385 : i32 to vector<16xi32>
      %mul3A_387 = arith.muli %get3A_378, %mul3A_386 : vector<16xi32>
      %add3A_388 = arith.addi %mul3A_387, %get3A_384 : vector<16xi32>
      %add3A_389 = arith.constant 0 : i32
      %add3A_390 = vector.broadcast %add3A_389 : i32 to vector<16xi32>
      %add3A_391 = arith.addi %add3A_388, %add3A_390 : vector<16xi32>
      %swap3A_392 = arith.constant 0 : i32
      %swap3A_393 = arith.index_cast %swap3A_392 : i32 to index
      %swap3A_394 = arith.constant 32 : index
      %swap3A_395 = tpu.vector_load %arg7[%swap3A_393, %swap3A_394] {strides = array<i32>} : memref<5x128xi32, #tpu.memory_space<vmem>>, vector<1x16xi32>,
      %swap3A_396 = vector.shape_cast %swap3A_395 : vector<1x16xi32> to vector<16xi32>
      %swap3A_397 = vector.shape_cast %add3A_391 : vector<16xi32> to vector<1x16xi32>
      tpu.vector_store %arg7[%swap3A_393, %swap3A_394], %swap3A_397 {strides = array<i32>} : memref<5x128xi32, #tpu.memory_space<vmem>>, vector<1x16xi32>,
      %get3A_398 = arith.constant 0 : i32
      %get3A_399 = arith.index_cast %select_n3A_304 : i32 to index
      %get3A_400 = arith.index_cast %get3A_398 : i32 to index
      %get3A_401 = arith.constant 48 : index
      %get3A_402 = tpu.vector_load %arg6[%get3A_399, %get3A_400, %get3A_401] {strides = array<i32>} : memref<2x9x128xi32, #tpu.memory_space<vmem>>, vector<1x1x16xi32>,
      %get3A_403 = vector.shape_cast %get3A_402 : vector<1x1x16xi32> to vector<16xi32>
      %get3A_404 = arith.constant 1 : i32
      %get3A_405 = arith.index_cast %select_n3A_304 : i32 to index
      %get3A_406 = arith.index_cast %get3A_404 : i32 to index
      %get3A_407 = arith.constant 48 : index
      %get3A_408 = tpu.vector_load %arg6[%get3A_405, %get3A_406, %get3A_407] {strides = array<i32>} : memref<2x9x128xi32, #tpu.memory_space<vmem>>, vector<1x1x16xi32>,
      %get3A_409 = vector.shape_cast %get3A_408 : vector<1x1x16xi32> to vector<16xi32>
      %mul3A_410 = arith.constant 100 : i32
      %mul3A_411 = vector.broadcast %mul3A_410 : i32 to vector<16xi32>
      %mul3A_412 = arith.muli %get3A_403, %mul3A_411 : vector<16xi32>
      %add3A_413 = arith.addi %mul3A_412, %get3A_409 : vector<16xi32>
      %add3A_414 = arith.constant 0 : i32
      %add3A_415 = vector.broadcast %add3A_414 : i32 to vector<16xi32>
      %add3A_416 = arith.addi %add3A_413, %add3A_415 : vector<16xi32>
      %swap3A_417 = arith.constant 0 : i32
      %swap3A_418 = arith.index_cast %swap3A_417 : i32 to index
      %swap3A_419 = arith.constant 48 : index
      %swap3A_420 = tpu.vector_load %arg7[%swap3A_418, %swap3A_419] {strides = array<i32>} : memref<5x128xi32, #tpu.memory_space<vmem>>, vector<1x16xi32>,
      %swap3A_421 = vector.shape_cast %swap3A_420 : vector<1x16xi32> to vector<16xi32>
      %swap3A_422 = vector.shape_cast %add3A_416 : vector<16xi32> to vector<1x16xi32>
      tpu.vector_store %arg7[%swap3A_418, %swap3A_419], %swap3A_422 {strides = array<i32>} : memref<5x128xi32, #tpu.memory_space<vmem>>, vector<1x16xi32>,
      %get3A_423 = arith.constant 0 : i32
      %get3A_424 = arith.index_cast %select_n3A_304 : i32 to index
      %get3A_425 = arith.index_cast %get3A_423 : i32 to index
      %get3A_426 = arith.constant 64 : index
      %get3A_427 = tpu.vector_load %arg6[%get3A_424, %get3A_425, %get3A_426] {strides = array<i32>} : memref<2x9x128xi32, #tpu.memory_space<vmem>>, vector<1x1x16xi32>,
      %get3A_428 = vector.shape_cast %get3A_427 : vector<1x1x16xi32> to vector<16xi32>
      %get3A_429 = arith.constant 1 : i32
      %get3A_430 = arith.index_cast %select_n3A_304 : i32 to index
      %get3A_431 = arith.index_cast %get3A_429 : i32 to index
      %get3A_432 = arith.constant 64 : index
      %get3A_433 = tpu.vector_load %arg6[%get3A_430, %get3A_431, %get3A_432] {strides = array<i32>} : memref<2x9x128xi32, #tpu.memory_space<vmem>>, vector<1x1x16xi32>,
      %get3A_434 = vector.shape_cast %get3A_433 : vector<1x1x16xi32> to vector<16xi32>
      %mul3A_435 = arith.constant 100 : i32
      %mul3A_436 = vector.broadcast %mul3A_435 : i32 to vector<16xi32>
      %mul3A_437 = arith.muli %get3A_428, %mul3A_436 : vector<16xi32>
      %add3A_438 = arith.addi %mul3A_437, %get3A_434 : vector<16xi32>
      %add3A_439 = arith.constant 0 : i32
      %add3A_440 = vector.broadcast %add3A_439 : i32 to vector<16xi32>
      %add3A_441 = arith.addi %add3A_438, %add3A_440 : vector<16xi32>
      %swap3A_442 = arith.constant 0 : i32
      %swap3A_443 = arith.index_cast %swap3A_442 : i32 to index
      %swap3A_444 = arith.constant 64 : index
      %swap3A_445 = tpu.vector_load %arg7[%swap3A_443, %swap3A_444] {strides = array<i32>} : memref<5x128xi32, #tpu.memory_space<vmem>>, vector<1x16xi32>,
      %swap3A_446 = vector.shape_cast %swap3A_445 : vector<1x16xi32> to vector<16xi32>
      %swap3A_447 = vector.shape_cast %add3A_441 : vector<16xi32> to vector<1x16xi32>
      tpu.vector_store %arg7[%swap3A_443, %swap3A_444], %swap3A_447 {strides = array<i32>} : memref<5x128xi32, #tpu.memory_space<vmem>>, vector<1x16xi32>,
      %get3A_448 = arith.constant 0 : i32
      %get3A_449 = arith.index_cast %select_n3A_304 : i32 to index
      %get3A_450 = arith.index_cast %get3A_448 : i32 to index
      %get3A_451 = arith.constant 80 : index
      %get3A_452 = tpu.vector_load %arg6[%get3A_449, %get3A_450, %get3A_451] {strides = array<i32>} : memref<2x9x128xi32, #tpu.memory_space<vmem>>, vector<1x1x16xi32>,
      %get3A_453 = vector.shape_cast %get3A_452 : vector<1x1x16xi32> to vector<16xi32>
      %get3A_454 = arith.constant 1 : i32
      %get3A_455 = arith.index_cast %select_n3A_304 : i32 to index
      %get3A_456 = arith.index_cast %get3A_454 : i32 to index
      %get3A_457 = arith.constant 80 : index
      %get3A_458 = tpu.vector_load %arg6[%get3A_455, %get3A_456, %get3A_457] {strides = array<i32>} : memref<2x9x128xi32, #tpu.memory_space<vmem>>, vector<1x1x16xi32>,
      %get3A_459 = vector.shape_cast %get3A_458 : vector<1x1x16xi32> to vector<16xi32>
      %mul3A_460 = arith.constant 100 : i32
      %mul3A_461 = vector.broadcast %mul3A_460 : i32 to vector<16xi32>
      %mul3A_462 = arith.muli %get3A_453, %mul3A_461 : vector<16xi32>
      %add3A_463 = arith.addi %mul3A_462, %get3A_459 : vector<16xi32>
      %add3A_464 = arith.constant 0 : i32
      %add3A_465 = vector.broadcast %add3A_464 : i32 to vector<16xi32>
      %add3A_466 = arith.addi %add3A_463, %add3A_465 : vector<16xi32>
      %swap3A_467 = arith.constant 0 : i32
      %swap3A_468 = arith.index_cast %swap3A_467 : i32 to index
      %swap3A_469 = arith.constant 80 : index
      %swap3A_470 = tpu.vector_load %arg7[%swap3A_468, %swap3A_469] {strides = array<i32>} : memref<5x128xi32, #tpu.memory_space<vmem>>, vector<1x16xi32>,
      %swap3A_471 = vector.shape_cast %swap3A_470 : vector<1x16xi32> to vector<16xi32>
      %swap3A_472 = vector.shape_cast %add3A_466 : vector<16xi32> to vector<1x16xi32>
      tpu.vector_store %arg7[%swap3A_468, %swap3A_469], %swap3A_472 {strides = array<i32>} : memref<5x128xi32, #tpu.memory_space<vmem>>, vector<1x16xi32>,
      %get3A_473 = arith.constant 0 : i32
      %get3A_474 = arith.index_cast %select_n3A_304 : i32 to index
      %get3A_475 = arith.index_cast %get3A_473 : i32 to index
      %get3A_476 = arith.constant 96 : index
      %get3A_477 = tpu.vector_load %arg6[%get3A_474, %get3A_475, %get3A_476] {strides = array<i32>} : memref<2x9x128xi32, #tpu.memory_space<vmem>>, vector<1x1x16xi32>,
      %get3A_478 = vector.shape_cast %get3A_477 : vector<1x1x16xi32> to vector<16xi32>
      %get3A_479 = arith.constant 1 : i32
      %get3A_480 = arith.index_cast %select_n3A_304 : i32 to index
      %get3A_481 = arith.index_cast %get3A_479 : i32 to index
      %get3A_482 = arith.constant 96 : index
      %get3A_483 = tpu.vector_load %arg6[%get3A_480, %get3A_481, %get3A_482] {strides = array<i32>} : memref<2x9x128xi32, #tpu.memory_space<vmem>>, vector<1x1x16xi32>,
      %get3A_484 = vector.shape_cast %get3A_483 : vector<1x1x16xi32> to vector<16xi32>
      %mul3A_485 = arith.constant 100 : i32
      %mul3A_486 = vector.broadcast %mul3A_485 : i32 to vector<16xi32>
      %mul3A_487 = arith.muli %get3A_478, %mul3A_486 : vector<16xi32>
      %add3A_488 = arith.addi %mul3A_487, %get3A_484 : vector<16xi32>
      %add3A_489 = arith.constant 0 : i32
      %add3A_490 = vector.broadcast %add3A_489 : i32 to vector<16xi32>
      %add3A_491 = arith.addi %add3A_488, %add3A_490 : vector<16xi32>
      %swap3A_492 = arith.constant 0 : i32
      %swap3A_493 = arith.index_cast %swap3A_492 : i32 to index
      %swap3A_494 = arith.constant 96 : index
      %swap3A_495 = tpu.vector_load %arg7[%swap3A_493, %swap3A_494] {strides = array<i32>} : memref<5x128xi32, #tpu.memory_space<vmem>>, vector<1x16xi32>,
      %swap3A_496 = vector.shape_cast %swap3A_495 : vector<1x16xi32> to vector<16xi32>
      %swap3A_497 = vector.shape_cast %add3A_491 : vector<16xi32> to vector<1x16xi32>
      tpu.vector_store %arg7[%swap3A_493, %swap3A_494], %swap3A_497 {strides = array<i32>} : memref<5x128xi32, #tpu.memory_space<vmem>>, vector<1x16xi32>,
      %get3A_498 = arith.constant 0 : i32
      %get3A_499 = arith.index_cast %select_n3A_304 : i32 to index
      %get3A_500 = arith.index_cast %get3A_498 : i32 to index
      %get3A_501 = arith.constant 112 : index
      %get3A_502 = tpu.vector_load %arg6[%get3A_499, %get3A_500, %get3A_501] {strides = array<i32>} : memref<2x9x128xi32, #tpu.memory_space<vmem>>, vector<1x1x16xi32>,
      %get3A_503 = vector.shape_cast %get3A_502 : vector<1x1x16xi32> to vector<16xi32>
      %get3A_504 = arith.constant 1 : i32
      %get3A_505 = arith.index_cast %select_n3A_304 : i32 to index
      %get3A_506 = arith.index_cast %get3A_504 : i32 to index
      %get3A_507 = arith.constant 112 : index
      %get3A_508 = tpu.vector_load %arg6[%get3A_505, %get3A_506, %get3A_507] {strides = array<i32>} : memref<2x9x128xi32, #tpu.memory_space<vmem>>, vector<1x1x16xi32>,
      %get3A_509 = vector.shape_cast %get3A_508 : vector<1x1x16xi32> to vector<16xi32>
      %mul3A_510 = arith.constant 100 : i32
      %mul3A_511 = vector.broadcast %mul3A_510 : i32 to vector<16xi32>
      %mul3A_512 = arith.muli %get3A_503, %mul3A_511 : vector<16xi32>
      %add3A_513 = arith.addi %mul3A_512, %get3A_509 : vector<16xi32>
      %add3A_514 = arith.constant 0 : i32
      %add3A_515 = vector.broadcast %add3A_514 : i32 to vector<16xi32>
      %add3A_516 = arith.addi %add3A_513, %add3A_515 : vector<16xi32>
      %swap3A_517 = arith.constant 0 : i32
      %swap3A_518 = arith.index_cast %swap3A_517 : i32 to index
      %swap3A_519 = arith.constant 112 : index
      %swap3A_520 = tpu.vector_load %arg7[%swap3A_518, %swap3A_519] {strides = array<i32>} : memref<5x128xi32, #tpu.memory_space<vmem>>, vector<1x16xi32>,
      %swap3A_521 = vector.shape_cast %swap3A_520 : vector<1x16xi32> to vector<16xi32>
      %swap3A_522 = vector.shape_cast %add3A_516 : vector<16xi32> to vector<1x16xi32>
      tpu.vector_store %arg7[%swap3A_518, %swap3A_519], %swap3A_522 {strides = array<i32>} : memref<5x128xi32, #tpu.memory_space<vmem>>, vector<1x16xi32>,
      %dma_start3A_523 = arith.constant 0 : i32
      %dma_start3A_524 = arith.constant 0 : i32
      %dma_start3A_525 = arith.constant 0 : i32
      %dma_start3A_526 = arith.constant 0 : i32
      %dma_start3A_527 = tpu.memref_slice %arg8[%dma_start3A_524, %dma_start3A_525, %dma_start3A_526] : memref<5x128x128xf32, #tpu.memory_space<vmem>> -> memref<1x128x128xf32, #tpu.memory_space<vmem>>
      %dma_start3A_528 = tpu.memref_squeeze %dma_start3A_527 : memref<1x128x128xf32, #tpu.memory_space<vmem>> -> memref<128x128xf32, #tpu.memory_space<vmem>>
      %dma_start3A_529 = arith.constant 0 : i32
      %dma_start3A_530 = tpu.memref_slice %arg7[%dma_start3A_523, %dma_start3A_529] : memref<5x128xi32, #tpu.memory_space<vmem>> -> memref<1x128xi32, #tpu.memory_space<vmem>>
      %dma_start3A_531 = tpu.memref_squeeze %dma_start3A_530 : memref<1x128xi32, #tpu.memory_space<vmem>> -> memref<128xi32, #tpu.memory_space<vmem>>
      %dma_start3A_532 = arith.constant 0 : i32
      %dma_start3A_533 = arith.constant 0 : i32
      %dma_start3A_534 = tpu.memref_slice %arg3[%dma_start3A_532, %dma_start3A_533] : memref<40000x128xf32, #tpu.memory_space<hbm>> -> memref<40000x128xf32, #tpu.memory_space<hbm>>
      tpu.enqueue_indirect_dma source(%dma_start3A_534 : memref<40000x128xf32, #tpu.memory_space<hbm>>) target(%dma_start3A_528 : memref<128x128xf32, #tpu.memory_space<vmem>>) offsets(%dma_start3A_531 : memref<128xi32, #tpu.memory_space<vmem>>) semaphore(%arg13 : memref<!tpu.dma_semaphore, #tpu.memory_space<semaphore_mem>>)
      %get3A_535 = arith.constant 2 : i32
      %get3A_536 = arith.index_cast %select_n3A_304 : i32 to index
      %get3A_537 = arith.index_cast %get3A_535 : i32 to index
      %get3A_538 = arith.constant 0 : index
      %get3A_539 = tpu.vector_load %arg6[%get3A_536, %get3A_537, %get3A_538] {strides = array<i32>} : memref<2x9x128xi32, #tpu.memory_space<vmem>>, vector<1x1x16xi32>,
      %get3A_540 = vector.shape_cast %get3A_539 : vector<1x1x16xi32> to vector<16xi32>
      %get3A_541 = arith.constant 3 : i32
      %get3A_542 = arith.index_cast %select_n3A_304 : i32 to index
      %get3A_543 = arith.index_cast %get3A_541 : i32 to index
      %get3A_544 = arith.constant 0 : index
      %get3A_545 = tpu.vector_load %arg6[%get3A_542, %get3A_543, %get3A_544] {strides = array<i32>} : memref<2x9x128xi32, #tpu.memory_space<vmem>>, vector<1x1x16xi32>,
      %get3A_546 = vector.shape_cast %get3A_545 : vector<1x1x16xi32> to vector<16xi32>
      %mul3A_547 = arith.constant 100 : i32
      %mul3A_548 = vector.broadcast %mul3A_547 : i32 to vector<16xi32>
      %mul3A_549 = arith.muli %get3A_540, %mul3A_548 : vector<16xi32>
      %add3A_550 = arith.addi %mul3A_549, %get3A_546 : vector<16xi32>
      %add3A_551 = arith.constant 10000 : i32
      %add3A_552 = vector.broadcast %add3A_551 : i32 to vector<16xi32>
      %add3A_553 = arith.addi %add3A_550, %add3A_552 : vector<16xi32>
      %swap3A_554 = arith.constant 1 : i32
      %swap3A_555 = arith.index_cast %swap3A_554 : i32 to index
      %swap3A_556 = arith.constant 0 : index
      %swap3A_557 = tpu.vector_load %arg7[%swap3A_555, %swap3A_556] {strides = array<i32>} : memref<5x128xi32, #tpu.memory_space<vmem>>, vector<1x16xi32>,
      %swap3A_558 = vector.shape_cast %swap3A_557 : vector<1x16xi32> to vector<16xi32>
      %swap3A_559 = vector.shape_cast %add3A_553 : vector<16xi32> to vector<1x16xi32>
      tpu.vector_store %arg7[%swap3A_555, %swap3A_556], %swap3A_559 {strides = array<i32>} : memref<5x128xi32, #tpu.memory_space<vmem>>, vector<1x16xi32>,
      %get3A_560 = arith.constant 2 : i32
      %get3A_561 = arith.index_cast %select_n3A_304 : i32 to index
      %get3A_562 = arith.index_cast %get3A_560 : i32 to index
      %get3A_563 = arith.constant 16 : index
      %get3A_564 = tpu.vector_load %arg6[%get3A_561, %get3A_562, %get3A_563] {strides = array<i32>} : memref<2x9x128xi32, #tpu.memory_space<vmem>>, vector<1x1x16xi32>,
      %get3A_565 = vector.shape_cast %get3A_564 : vector<1x1x16xi32> to vector<16xi32>
      %get3A_566 = arith.constant 3 : i32
      %get3A_567 = arith.index_cast %select_n3A_304 : i32 to index
      %get3A_568 = arith.index_cast %get3A_566 : i32 to index
      %get3A_569 = arith.constant 16 : index
      %get3A_570 = tpu.vector_load %arg6[%get3A_567, %get3A_568, %get3A_569] {strides = array<i32>} : memref<2x9x128xi32, #tpu.memory_space<vmem>>, vector<1x1x16xi32>,
      %get3A_571 = vector.shape_cast %get3A_570 : vector<1x1x16xi32> to vector<16xi32>
      %mul3A_572 = arith.constant 100 : i32
      %mul3A_573 = vector.broadcast %mul3A_572 : i32 to vector<16xi32>
      %mul3A_574 = arith.muli %get3A_565, %mul3A_573 : vector<16xi32>
      %add3A_575 = arith.addi %mul3A_574, %get3A_571 : vector<16xi32>
      %add3A_576 = arith.constant 10000 : i32
      %add3A_577 = vector.broadcast %add3A_576 : i32 to vector<16xi32>
      %add3A_578 = arith.addi %add3A_575, %add3A_577 : vector<16xi32>
      %swap3A_579 = arith.constant 1 : i32
      %swap3A_580 = arith.index_cast %swap3A_579 : i32 to index
      %swap3A_581 = arith.constant 16 : index
      %swap3A_582 = tpu.vector_load %arg7[%swap3A_580, %swap3A_581] {strides = array<i32>} : memref<5x128xi32, #tpu.memory_space<vmem>>, vector<1x16xi32>,
      %swap3A_583 = vector.shape_cast %swap3A_582 : vector<1x16xi32> to vector<16xi32>
      %swap3A_584 = vector.shape_cast %add3A_578 : vector<16xi32> to vector<1x16xi32>
      tpu.vector_store %arg7[%swap3A_580, %swap3A_581], %swap3A_584 {strides = array<i32>} : memref<5x128xi32, #tpu.memory_space<vmem>>, vector<1x16xi32>,
      %get3A_585 = arith.constant 2 : i32
      %get3A_586 = arith.index_cast %select_n3A_304 : i32 to index
      %get3A_587 = arith.index_cast %get3A_585 : i32 to index
      %get3A_588 = arith.constant 32 : index
      %get3A_589 = tpu.vector_load %arg6[%get3A_586, %get3A_587, %get3A_588] {strides = array<i32>} : memref<2x9x128xi32, #tpu.memory_space<vmem>>, vector<1x1x16xi32>,
      %get3A_590 = vector.shape_cast %get3A_589 : vector<1x1x16xi32> to vector<16xi32>
      %get3A_591 = arith.constant 3 : i32
      %get3A_592 = arith.index_cast %select_n3A_304 : i32 to index
      %get3A_593 = arith.index_cast %get3A_591 : i32 to index
      %get3A_594 = arith.constant 32 : index
      %get3A_595 = tpu.vector_load %arg6[%get3A_592, %get3A_593, %get3A_594] {strides = array<i32>} : memref<2x9x128xi32, #tpu.memory_space<vmem>>, vector<1x1x16xi32>,
      %get3A_596 = vector.shape_cast %get3A_595 : vector<1x1x16xi32> to vector<16xi32>
      %mul3A_597 = arith.constant 100 : i32
      %mul3A_598 = vector.broadcast %mul3A_597 : i32 to vector<16xi32>
      %mul3A_599 = arith.muli %get3A_590, %mul3A_598 : vector<16xi32>
      %add3A_600 = arith.addi %mul3A_599, %get3A_596 : vector<16xi32>
      %add3A_601 = arith.constant 10000 : i32
      %add3A_602 = vector.broadcast %add3A_601 : i32 to vector<16xi32>
      %add3A_603 = arith.addi %add3A_600, %add3A_602 : vector<16xi32>
      %swap3A_604 = arith.constant 1 : i32
      %swap3A_605 = arith.index_cast %swap3A_604 : i32 to index
      %swap3A_606 = arith.constant 32 : index
      %swap3A_607 = tpu.vector_load %arg7[%swap3A_605, %swap3A_606] {strides = array<i32>} : memref<5x128xi32, #tpu.memory_space<vmem>>, vector<1x16xi32>,
      %swap3A_608 = vector.shape_cast %swap3A_607 : vector<1x16xi32> to vector<16xi32>
      %swap3A_609 = vector.shape_cast %add3A_603 : vector<16xi32> to vector<1x16xi32>
      tpu.vector_store %arg7[%swap3A_605, %swap3A_606], %swap3A_609 {strides = array<i32>} : memref<5x128xi32, #tpu.memory_space<vmem>>, vector<1x16xi32>,
      %get3A_610 = arith.constant 2 : i32
      %get3A_611 = arith.index_cast %select_n3A_304 : i32 to index
      %get3A_612 = arith.index_cast %get3A_610 : i32 to index
      %get3A_613 = arith.constant 48 : index
      %get3A_614 = tpu.vector_load %arg6[%get3A_611, %get3A_612, %get3A_613] {strides = array<i32>} : memref<2x9x128xi32, #tpu.memory_space<vmem>>, vector<1x1x16xi32>,
      %get3A_615 = vector.shape_cast %get3A_614 : vector<1x1x16xi32> to vector<16xi32>
      %get3A_616 = arith.constant 3 : i32
      %get3A_617 = arith.index_cast %select_n3A_304 : i32 to index
      %get3A_618 = arith.index_cast %get3A_616 : i32 to index
      %get3A_619 = arith.constant 48 : index
      %get3A_620 = tpu.vector_load %arg6[%get3A_617, %get3A_618, %get3A_619] {strides = array<i32>} : memref<2x9x128xi32, #tpu.memory_space<vmem>>, vector<1x1x16xi32>,
      %get3A_621 = vector.shape_cast %get3A_620 : vector<1x1x16xi32> to vector<16xi32>
      %mul3A_622 = arith.constant 100 : i32
      %mul3A_623 = vector.broadcast %mul3A_622 : i32 to vector<16xi32>
      %mul3A_624 = arith.muli %get3A_615, %mul3A_623 : vector<16xi32>
      %add3A_625 = arith.addi %mul3A_624, %get3A_621 : vector<16xi32>
      %add3A_626 = arith.constant 10000 : i32
      %add3A_627 = vector.broadcast %add3A_626 : i32 to vector<16xi32>
      %add3A_628 = arith.addi %add3A_625, %add3A_627 : vector<16xi32>
      %swap3A_629 = arith.constant 1 : i32
      %swap3A_630 = arith.index_cast %swap3A_629 : i32 to index
      %swap3A_631 = arith.constant 48 : index
      %swap3A_632 = tpu.vector_load %arg7[%swap3A_630, %swap3A_631] {strides = array<i32>} : memref<5x128xi32, #tpu.memory_space<vmem>>, vector<1x16xi32>,
      %swap3A_633 = vector.shape_cast %swap3A_632 : vector<1x16xi32> to vector<16xi32>
      %swap3A_634 = vector.shape_cast %add3A_628 : vector<16xi32> to vector<1x16xi32>
      tpu.vector_store %arg7[%swap3A_630, %swap3A_631], %swap3A_634 {strides = array<i32>} : memref<5x128xi32, #tpu.memory_space<vmem>>, vector<1x16xi32>,
      %get3A_635 = arith.constant 2 : i32
      %get3A_636 = arith.index_cast %select_n3A_304 : i32 to index
      %get3A_637 = arith.index_cast %get3A_635 : i32 to index
      %get3A_638 = arith.constant 64 : index
      %get3A_639 = tpu.vector_load %arg6[%get3A_636, %get3A_637, %get3A_638] {strides = array<i32>} : memref<2x9x128xi32, #tpu.memory_space<vmem>>, vector<1x1x16xi32>,
      %get3A_640 = vector.shape_cast %get3A_639 : vector<1x1x16xi32> to vector<16xi32>
      %get3A_641 = arith.constant 3 : i32
      %get3A_642 = arith.index_cast %select_n3A_304 : i32 to index
      %get3A_643 = arith.index_cast %get3A_641 : i32 to index
      %get3A_644 = arith.constant 64 : index
      %get3A_645 = tpu.vector_load %arg6[%get3A_642, %get3A_643, %get3A_644] {strides = array<i32>} : memref<2x9x128xi32, #tpu.memory_space<vmem>>, vector<1x1x16xi32>,
      %get3A_646 = vector.shape_cast %get3A_645 : vector<1x1x16xi32> to vector<16xi32>
      %mul3A_647 = arith.constant 100 : i32
      %mul3A_648 = vector.broadcast %mul3A_647 : i32 to vector<16xi32>
      %mul3A_649 = arith.muli %get3A_640, %mul3A_648 : vector<16xi32>
      %add3A_650 = arith.addi %mul3A_649, %get3A_646 : vector<16xi32>
      %add3A_651 = arith.constant 10000 : i32
      %add3A_652 = vector.broadcast %add3A_651 : i32 to vector<16xi32>
      %add3A_653 = arith.addi %add3A_650, %add3A_652 : vector<16xi32>
      %swap3A_654 = arith.constant 1 : i32
      %swap3A_655 = arith.index_cast %swap3A_654 : i32 to index
      %swap3A_656 = arith.constant 64 : index
      %swap3A_657 = tpu.vector_load %arg7[%swap3A_655, %swap3A_656] {strides = array<i32>} : memref<5x128xi32, #tpu.memory_space<vmem>>, vector<1x16xi32>,
      %swap3A_658 = vector.shape_cast %swap3A_657 : vector<1x16xi32> to vector<16xi32>
      %swap3A_659 = vector.shape_cast %add3A_653 : vector<16xi32> to vector<1x16xi32>
      tpu.vector_store %arg7[%swap3A_655, %swap3A_656], %swap3A_659 {strides = array<i32>} : memref<5x128xi32, #tpu.memory_space<vmem>>, vector<1x16xi32>,
      %get3A_660 = arith.constant 2 : i32
      %get3A_661 = arith.index_cast %select_n3A_304 : i32 to index
      %get3A_662 = arith.index_cast %get3A_660 : i32 to index
      %get3A_663 = arith.constant 80 : index
      %get3A_664 = tpu.vector_load %arg6[%get3A_661, %get3A_662, %get3A_663] {strides = array<i32>} : memref<2x9x128xi32, #tpu.memory_space<vmem>>, vector<1x1x16xi32>,
      %get3A_665 = vector.shape_cast %get3A_664 : vector<1x1x16xi32> to vector<16xi32>
      %get3A_666 = arith.constant 3 : i32
      %get3A_667 = arith.index_cast %select_n3A_304 : i32 to index
      %get3A_668 = arith.index_cast %get3A_666 : i32 to index
      %get3A_669 = arith.constant 80 : index
      %get3A_670 = tpu.vector_load %arg6[%get3A_667, %get3A_668, %get3A_669] {strides = array<i32>} : memref<2x9x128xi32, #tpu.memory_space<vmem>>, vector<1x1x16xi32>,
      %get3A_671 = vector.shape_cast %get3A_670 : vector<1x1x16xi32> to vector<16xi32>
      %mul3A_672 = arith.constant 100 : i32
      %mul3A_673 = vector.broadcast %mul3A_672 : i32 to vector<16xi32>
      %mul3A_674 = arith.muli %get3A_665, %mul3A_673 : vector<16xi32>
      %add3A_675 = arith.addi %mul3A_674, %get3A_671 : vector<16xi32>
      %add3A_676 = arith.constant 10000 : i32
      %add3A_677 = vector.broadcast %add3A_676 : i32 to vector<16xi32>
      %add3A_678 = arith.addi %add3A_675, %add3A_677 : vector<16xi32>
      %swap3A_679 = arith.constant 1 : i32
      %swap3A_680 = arith.index_cast %swap3A_679 : i32 to index
      %swap3A_681 = arith.constant 80 : index
      %swap3A_682 = tpu.vector_load %arg7[%swap3A_680, %swap3A_681] {strides = array<i32>} : memref<5x128xi32, #tpu.memory_space<vmem>>, vector<1x16xi32>,
      %swap3A_683 = vector.shape_cast %swap3A_682 : vector<1x16xi32> to vector<16xi32>
      %swap3A_684 = vector.shape_cast %add3A_678 : vector<16xi32> to vector<1x16xi32>
      tpu.vector_store %arg7[%swap3A_680, %swap3A_681], %swap3A_684 {strides = array<i32>} : memref<5x128xi32, #tpu.memory_space<vmem>>, vector<1x16xi32>,
      %get3A_685 = arith.constant 2 : i32
      %get3A_686 = arith.index_cast %select_n3A_304 : i32 to index
      %get3A_687 = arith.index_cast %get3A_685 : i32 to index
      %get3A_688 = arith.constant 96 : index
      %get3A_689 = tpu.vector_load %arg6[%get3A_686, %get3A_687, %get3A_688] {strides = array<i32>} : memref<2x9x128xi32, #tpu.memory_space<vmem>>, vector<1x1x16xi32>,
      %get3A_690 = vector.shape_cast %get3A_689 : vector<1x1x16xi32> to vector<16xi32>
      %get3A_691 = arith.constant 3 : i32
      %get3A_692 = arith.index_cast %select_n3A_304 : i32 to index
      %get3A_693 = arith.index_cast %get3A_691 : i32 to index
      %get3A_694 = arith.constant 96 : index
      %get3A_695 = tpu.vector_load %arg6[%get3A_692, %get3A_693, %get3A_694] {strides = array<i32>} : memref<2x9x128xi32, #tpu.memory_space<vmem>>, vector<1x1x16xi32>,
      %get3A_696 = vector.shape_cast %get3A_695 : vector<1x1x16xi32> to vector<16xi32>
      %mul3A_697 = arith.constant 100 : i32
      %mul3A_698 = vector.broadcast %mul3A_697 : i32 to vector<16xi32>
      %mul3A_699 = arith.muli %get3A_690, %mul3A_698 : vector<16xi32>
      %add3A_700 = arith.addi %mul3A_699, %get3A_696 : vector<16xi32>
      %add3A_701 = arith.constant 10000 : i32
      %add3A_702 = vector.broadcast %add3A_701 : i32 to vector<16xi32>
      %add3A_703 = arith.addi %add3A_700, %add3A_702 : vector<16xi32>
      %swap3A_704 = arith.constant 1 : i32
      %swap3A_705 = arith.index_cast %swap3A_704 : i32 to index
      %swap3A_706 = arith.constant 96 : index
      %swap3A_707 = tpu.vector_load %arg7[%swap3A_705, %swap3A_706] {strides = array<i32>} : memref<5x128xi32, #tpu.memory_space<vmem>>, vector<1x16xi32>,
      %swap3A_708 = vector.shape_cast %swap3A_707 : vector<1x16xi32> to vector<16xi32>
      %swap3A_709 = vector.shape_cast %add3A_703 : vector<16xi32> to vector<1x16xi32>
      tpu.vector_store %arg7[%swap3A_705, %swap3A_706], %swap3A_709 {strides = array<i32>} : memref<5x128xi32, #tpu.memory_space<vmem>>, vector<1x16xi32>,
      %get3A_710 = arith.constant 2 : i32
      %get3A_711 = arith.index_cast %select_n3A_304 : i32 to index
      %get3A_712 = arith.index_cast %get3A_710 : i32 to index
      %get3A_713 = arith.constant 112 : index
      %get3A_714 = tpu.vector_load %arg6[%get3A_711, %get3A_712, %get3A_713] {strides = array<i32>} : memref<2x9x128xi32, #tpu.memory_space<vmem>>, vector<1x1x16xi32>,
      %get3A_715 = vector.shape_cast %get3A_714 : vector<1x1x16xi32> to vector<16xi32>
      %get3A_716 = arith.constant 3 : i32
      %get3A_717 = arith.index_cast %select_n3A_304 : i32 to index
      %get3A_718 = arith.index_cast %get3A_716 : i32 to index
      %get3A_719 = arith.constant 112 : index
      %get3A_720 = tpu.vector_load %arg6[%get3A_717, %get3A_718, %get3A_719] {strides = array<i32>} : memref<2x9x128xi32, #tpu.memory_space<vmem>>, vector<1x1x16xi32>,
      %get3A_721 = vector.shape_cast %get3A_720 : vector<1x1x16xi32> to vector<16xi32>
      %mul3A_722 = arith.constant 100 : i32
      %mul3A_723 = vector.broadcast %mul3A_722 : i32 to vector<16xi32>
      %mul3A_724 = arith.muli %get3A_715, %mul3A_723 : vector<16xi32>
      %add3A_725 = arith.addi %mul3A_724, %get3A_721 : vector<16xi32>
      %add3A_726 = arith.constant 10000 : i32
      %add3A_727 = vector.broadcast %add3A_726 : i32 to vector<16xi32>
      %add3A_728 = arith.addi %add3A_725, %add3A_727 : vector<16xi32>
      %swap3A_729 = arith.constant 1 : i32
      %swap3A_730 = arith.index_cast %swap3A_729 : i32 to index
      %swap3A_731 = arith.constant 112 : index
      %swap3A_732 = tpu.vector_load %arg7[%swap3A_730, %swap3A_731] {strides = array<i32>} : memref<5x128xi32, #tpu.memory_space<vmem>>, vector<1x16xi32>,
      %swap3A_733 = vector.shape_cast %swap3A_732 : vector<1x16xi32> to vector<16xi32>
      %swap3A_734 = vector.shape_cast %add3A_728 : vector<16xi32> to vector<1x16xi32>
      tpu.vector_store %arg7[%swap3A_730, %swap3A_731], %swap3A_734 {strides = array<i32>} : memref<5x128xi32, #tpu.memory_space<vmem>>, vector<1x16xi32>,
      %dma_start3A_735 = arith.constant 1 : i32
      %dma_start3A_736 = arith.constant 1 : i32
      %dma_start3A_737 = arith.constant 0 : i32
      %dma_start3A_738 = arith.constant 0 : i32
      %dma_start3A_739 = tpu.memref_slice %arg8[%dma_start3A_736, %dma_start3A_737, %dma_start3A_738] : memref<5x128x128xf32, #tpu.memory_space<vmem>> -> memref<1x128x128xf32, #tpu.memory_space<vmem>>
      %dma_start3A_740 = tpu.memref_squeeze %dma_start3A_739 : memref<1x128x128xf32, #tpu.memory_space<vmem>> -> memref<128x128xf32, #tpu.memory_space<vmem>>
      %dma_start3A_741 = arith.constant 0 : i32
      %dma_start3A_742 = tpu.memref_slice %arg7[%dma_start3A_735, %dma_start3A_741] : memref<5x128xi32, #tpu.memory_space<vmem>> -> memref<1x128xi32, #tpu.memory_space<vmem>>
      %dma_start3A_743 = tpu.memref_squeeze %dma_start3A_742 : memref<1x128xi32, #tpu.memory_space<vmem>> -> memref<128xi32, #tpu.memory_space<vmem>>
      %dma_start3A_744 = arith.constant 0 : i32
      %dma_start3A_745 = arith.constant 0 : i32
      %dma_start3A_746 = tpu.memref_slice %arg3[%dma_start3A_744, %dma_start3A_745] : memref<40000x128xf32, #tpu.memory_space<hbm>> -> memref<40000x128xf32, #tpu.memory_space<hbm>>
      tpu.enqueue_indirect_dma source(%dma_start3A_746 : memref<40000x128xf32, #tpu.memory_space<hbm>>) target(%dma_start3A_740 : memref<128x128xf32, #tpu.memory_space<vmem>>) offsets(%dma_start3A_743 : memref<128xi32, #tpu.memory_space<vmem>>) semaphore(%arg14 : memref<!tpu.dma_semaphore, #tpu.memory_space<semaphore_mem>>)
      %get3A_747 = arith.constant 4 : i32
      %get3A_748 = arith.index_cast %select_n3A_304 : i32 to index
      %get3A_749 = arith.index_cast %get3A_747 : i32 to index
      %get3A_750 = arith.constant 0 : index
      %get3A_751 = tpu.vector_load %arg6[%get3A_748, %get3A_749, %get3A_750] {strides = array<i32>} : memref<2x9x128xi32, #tpu.memory_space<vmem>>, vector<1x1x16xi32>,
      %get3A_752 = vector.shape_cast %get3A_751 : vector<1x1x16xi32> to vector<16xi32>
      %get3A_753 = arith.constant 5 : i32
      %get3A_754 = arith.index_cast %select_n3A_304 : i32 to index
      %get3A_755 = arith.index_cast %get3A_753 : i32 to index
      %get3A_756 = arith.constant 0 : index
      %get3A_757 = tpu.vector_load %arg6[%get3A_754, %get3A_755, %get3A_756] {strides = array<i32>} : memref<2x9x128xi32, #tpu.memory_space<vmem>>, vector<1x1x16xi32>,
      %get3A_758 = vector.shape_cast %get3A_757 : vector<1x1x16xi32> to vector<16xi32>
      %mul3A_759 = arith.constant 100 : i32
      %mul3A_760 = vector.broadcast %mul3A_759 : i32 to vector<16xi32>
      %mul3A_761 = arith.muli %get3A_752, %mul3A_760 : vector<16xi32>
      %add3A_762 = arith.addi %mul3A_761, %get3A_758 : vector<16xi32>
      %add3A_763 = arith.constant 20000 : i32
      %add3A_764 = vector.broadcast %add3A_763 : i32 to vector<16xi32>
      %add3A_765 = arith.addi %add3A_762, %add3A_764 : vector<16xi32>
      %swap3A_766 = arith.constant 2 : i32
      %swap3A_767 = arith.index_cast %swap3A_766 : i32 to index
      %swap3A_768 = arith.constant 0 : index
      %swap3A_769 = tpu.vector_load %arg7[%swap3A_767, %swap3A_768] {strides = array<i32>} : memref<5x128xi32, #tpu.memory_space<vmem>>, vector<1x16xi32>,
      %swap3A_770 = vector.shape_cast %swap3A_769 : vector<1x16xi32> to vector<16xi32>
      %swap3A_771 = vector.shape_cast %add3A_765 : vector<16xi32> to vector<1x16xi32>
      tpu.vector_store %arg7[%swap3A_767, %swap3A_768], %swap3A_771 {strides = array<i32>} : memref<5x128xi32, #tpu.memory_space<vmem>>, vector<1x16xi32>,
      %get3A_772 = arith.constant 4 : i32
      %get3A_773 = arith.index_cast %select_n3A_304 : i32 to index
      %get3A_774 = arith.index_cast %get3A_772 : i32 to index
      %get3A_775 = arith.constant 16 : index
      %get3A_776 = tpu.vector_load %arg6[%get3A_773, %get3A_774, %get3A_775] {strides = array<i32>} : memref<2x9x128xi32, #tpu.memory_space<vmem>>, vector<1x1x16xi32>,
      %get3A_777 = vector.shape_cast %get3A_776 : vector<1x1x16xi32> to vector<16xi32>
      %get3A_778 = arith.constant 5 : i32
      %get3A_779 = arith.index_cast %select_n3A_304 : i32 to index
      %get3A_780 = arith.index_cast %get3A_778 : i32 to index
      %get3A_781 = arith.constant 16 : index
      %get3A_782 = tpu.vector_load %arg6[%get3A_779, %get3A_780, %get3A_781] {strides = array<i32>} : memref<2x9x128xi32, #tpu.memory_space<vmem>>, vector<1x1x16xi32>,
      %get3A_783 = vector.shape_cast %get3A_782 : vector<1x1x16xi32> to vector<16xi32>
      %mul3A_784 = arith.constant 100 : i32
      %mul3A_785 = vector.broadcast %mul3A_784 : i32 to vector<16xi32>
      %mul3A_786 = arith.muli %get3A_777, %mul3A_785 : vector<16xi32>
      %add3A_787 = arith.addi %mul3A_786, %get3A_783 : vector<16xi32>
      %add3A_788 = arith.constant 20000 : i32
      %add3A_789 = vector.broadcast %add3A_788 : i32 to vector<16xi32>
      %add3A_790 = arith.addi %add3A_787, %add3A_789 : vector<16xi32>
      %swap3A_791 = arith.constant 2 : i32
      %swap3A_792 = arith.index_cast %swap3A_791 : i32 to index
      %swap3A_793 = arith.constant 16 : index
      %swap3A_794 = tpu.vector_load %arg7[%swap3A_792, %swap3A_793] {strides = array<i32>} : memref<5x128xi32, #tpu.memory_space<vmem>>, vector<1x16xi32>,
      %swap3A_795 = vector.shape_cast %swap3A_794 : vector<1x16xi32> to vector<16xi32>
      %swap3A_796 = vector.shape_cast %add3A_790 : vector<16xi32> to vector<1x16xi32>
      tpu.vector_store %arg7[%swap3A_792, %swap3A_793], %swap3A_796 {strides = array<i32>} : memref<5x128xi32, #tpu.memory_space<vmem>>, vector<1x16xi32>,
      %get3A_797 = arith.constant 4 : i32
      %get3A_798 = arith.index_cast %select_n3A_304 : i32 to index
      %get3A_799 = arith.index_cast %get3A_797 : i32 to index
      %get3A_800 = arith.constant 32 : index
      %get3A_801 = tpu.vector_load %arg6[%get3A_798, %get3A_799, %get3A_800] {strides = array<i32>} : memref<2x9x128xi32, #tpu.memory_space<vmem>>, vector<1x1x16xi32>,
      %get3A_802 = vector.shape_cast %get3A_801 : vector<1x1x16xi32> to vector<16xi32>
      %get3A_803 = arith.constant 5 : i32
      %get3A_804 = arith.index_cast %select_n3A_304 : i32 to index
      %get3A_805 = arith.index_cast %get3A_803 : i32 to index
      %get3A_806 = arith.constant 32 : index
      %get3A_807 = tpu.vector_load %arg6[%get3A_804, %get3A_805, %get3A_806] {strides = array<i32>} : memref<2x9x128xi32, #tpu.memory_space<vmem>>, vector<1x1x16xi32>,
      %get3A_808 = vector.shape_cast %get3A_807 : vector<1x1x16xi32> to vector<16xi32>
      %mul3A_809 = arith.constant 100 : i32
      %mul3A_810 = vector.broadcast %mul3A_809 : i32 to vector<16xi32>
      %mul3A_811 = arith.muli %get3A_802, %mul3A_810 : vector<16xi32>
      %add3A_812 = arith.addi %mul3A_811, %get3A_808 : vector<16xi32>
      %add3A_813 = arith.constant 20000 : i32
      %add3A_814 = vector.broadcast %add3A_813 : i32 to vector<16xi32>
      %add3A_815 = arith.addi %add3A_812, %add3A_814 : vector<16xi32>
      %swap3A_816 = arith.constant 2 : i32
      %swap3A_817 = arith.index_cast %swap3A_816 : i32 to index
      %swap3A_818 = arith.constant 32 : index
      %swap3A_819 = tpu.vector_load %arg7[%swap3A_817, %swap3A_818] {strides = array<i32>} : memref<5x128xi32, #tpu.memory_space<vmem>>, vector<1x16xi32>,
      %swap3A_820 = vector.shape_cast %swap3A_819 : vector<1x16xi32> to vector<16xi32>
      %swap3A_821 = vector.shape_cast %add3A_815 : vector<16xi32> to vector<1x16xi32>
      tpu.vector_store %arg7[%swap3A_817, %swap3A_818], %swap3A_821 {strides = array<i32>} : memref<5x128xi32, #tpu.memory_space<vmem>>, vector<1x16xi32>,
      %get3A_822 = arith.constant 4 : i32
      %get3A_823 = arith.index_cast %select_n3A_304 : i32 to index
      %get3A_824 = arith.index_cast %get3A_822 : i32 to index
      %get3A_825 = arith.constant 48 : index
      %get3A_826 = tpu.vector_load %arg6[%get3A_823, %get3A_824, %get3A_825] {strides = array<i32>} : memref<2x9x128xi32, #tpu.memory_space<vmem>>, vector<1x1x16xi32>,
      %get3A_827 = vector.shape_cast %get3A_826 : vector<1x1x16xi32> to vector<16xi32>
      %get3A_828 = arith.constant 5 : i32
      %get3A_829 = arith.index_cast %select_n3A_304 : i32 to index
      %get3A_830 = arith.index_cast %get3A_828 : i32 to index
      %get3A_831 = arith.constant 48 : index
      %get3A_832 = tpu.vector_load %arg6[%get3A_829, %get3A_830, %get3A_831] {strides = array<i32>} : memref<2x9x128xi32, #tpu.memory_space<vmem>>, vector<1x1x16xi32>,
      %get3A_833 = vector.shape_cast %get3A_832 : vector<1x1x16xi32> to vector<16xi32>
      %mul3A_834 = arith.constant 100 : i32
      %mul3A_835 = vector.broadcast %mul3A_834 : i32 to vector<16xi32>
      %mul3A_836 = arith.muli %get3A_827, %mul3A_835 : vector<16xi32>
      %add3A_837 = arith.addi %mul3A_836, %get3A_833 : vector<16xi32>
      %add3A_838 = arith.constant 20000 : i32
      %add3A_839 = vector.broadcast %add3A_838 : i32 to vector<16xi32>
      %add3A_840 = arith.addi %add3A_837, %add3A_839 : vector<16xi32>
      %swap3A_841 = arith.constant 2 : i32
      %swap3A_842 = arith.index_cast %swap3A_841 : i32 to index
      %swap3A_843 = arith.constant 48 : index
      %swap3A_844 = tpu.vector_load %arg7[%swap3A_842, %swap3A_843] {strides = array<i32>} : memref<5x128xi32, #tpu.memory_space<vmem>>, vector<1x16xi32>,
      %swap3A_845 = vector.shape_cast %swap3A_844 : vector<1x16xi32> to vector<16xi32>
      %swap3A_846 = vector.shape_cast %add3A_840 : vector<16xi32> to vector<1x16xi32>
      tpu.vector_store %arg7[%swap3A_842, %swap3A_843], %swap3A_846 {strides = array<i32>} : memref<5x128xi32, #tpu.memory_space<vmem>>, vector<1x16xi32>,
      %get3A_847 = arith.constant 4 : i32
      %get3A_848 = arith.index_cast %select_n3A_304 : i32 to index
      %get3A_849 = arith.index_cast %get3A_847 : i32 to index
      %get3A_850 = arith.constant 64 : index
      %get3A_851 = tpu.vector_load %arg6[%get3A_848, %get3A_849, %get3A_850] {strides = array<i32>} : memref<2x9x128xi32, #tpu.memory_space<vmem>>, vector<1x1x16xi32>,
      %get3A_852 = vector.shape_cast %get3A_851 : vector<1x1x16xi32> to vector<16xi32>
      %get3A_853 = arith.constant 5 : i32
      %get3A_854 = arith.index_cast %select_n3A_304 : i32 to index
      %get3A_855 = arith.index_cast %get3A_853 : i32 to index
      %get3A_856 = arith.constant 64 : index
      %get3A_857 = tpu.vector_load %arg6[%get3A_854, %get3A_855, %get3A_856] {strides = array<i32>} : memref<2x9x128xi32, #tpu.memory_space<vmem>>, vector<1x1x16xi32>,
      %get3A_858 = vector.shape_cast %get3A_857 : vector<1x1x16xi32> to vector<16xi32>
      %mul3A_859 = arith.constant 100 : i32
      %mul3A_860 = vector.broadcast %mul3A_859 : i32 to vector<16xi32>
      %mul3A_861 = arith.muli %get3A_852, %mul3A_860 : vector<16xi32>
      %add3A_862 = arith.addi %mul3A_861, %get3A_858 : vector<16xi32>
      %add3A_863 = arith.constant 20000 : i32
      %add3A_864 = vector.broadcast %add3A_863 : i32 to vector<16xi32>
      %add3A_865 = arith.addi %add3A_862, %add3A_864 : vector<16xi32>
      %swap3A_866 = arith.constant 2 : i32
      %swap3A_867 = arith.index_cast %swap3A_866 : i32 to index
      %swap3A_868 = arith.constant 64 : index
      %swap3A_869 = tpu.vector_load %arg7[%swap3A_867, %swap3A_868] {strides = array<i32>} : memref<5x128xi32, #tpu.memory_space<vmem>>, vector<1x16xi32>,
      %swap3A_870 = vector.shape_cast %swap3A_869 : vector<1x16xi32> to vector<16xi32>
      %swap3A_871 = vector.shape_cast %add3A_865 : vector<16xi32> to vector<1x16xi32>
      tpu.vector_store %arg7[%swap3A_867, %swap3A_868], %swap3A_871 {strides = array<i32>} : memref<5x128xi32, #tpu.memory_space<vmem>>, vector<1x16xi32>,
      %get3A_872 = arith.constant 4 : i32
      %get3A_873 = arith.index_cast %select_n3A_304 : i32 to index
      %get3A_874 = arith.index_cast %get3A_872 : i32 to index
      %get3A_875 = arith.constant 80 : index
      %get3A_876 = tpu.vector_load %arg6[%get3A_873, %get3A_874, %get3A_875] {strides = array<i32>} : memref<2x9x128xi32, #tpu.memory_space<vmem>>, vector<1x1x16xi32>,
      %get3A_877 = vector.shape_cast %get3A_876 : vector<1x1x16xi32> to vector<16xi32>
      %get3A_878 = arith.constant 5 : i32
      %get3A_879 = arith.index_cast %select_n3A_304 : i32 to index
      %get3A_880 = arith.index_cast %get3A_878 : i32 to index
      %get3A_881 = arith.constant 80 : index
      %get3A_882 = tpu.vector_load %arg6[%get3A_879, %get3A_880, %get3A_881] {strides = array<i32>} : memref<2x9x128xi32, #tpu.memory_space<vmem>>, vector<1x1x16xi32>,
      %get3A_883 = vector.shape_cast %get3A_882 : vector<1x1x16xi32> to vector<16xi32>
      %mul3A_884 = arith.constant 100 : i32
      %mul3A_885 = vector.broadcast %mul3A_884 : i32 to vector<16xi32>
      %mul3A_886 = arith.muli %get3A_877, %mul3A_885 : vector<16xi32>
      %add3A_887 = arith.addi %mul3A_886, %get3A_883 : vector<16xi32>
      %add3A_888 = arith.constant 20000 : i32
      %add3A_889 = vector.broadcast %add3A_888 : i32 to vector<16xi32>
      %add3A_890 = arith.addi %add3A_887, %add3A_889 : vector<16xi32>
      %swap3A_891 = arith.constant 2 : i32
      %swap3A_892 = arith.index_cast %swap3A_891 : i32 to index
      %swap3A_893 = arith.constant 80 : index
      %swap3A_894 = tpu.vector_load %arg7[%swap3A_892, %swap3A_893] {strides = array<i32>} : memref<5x128xi32, #tpu.memory_space<vmem>>, vector<1x16xi32>,
      %swap3A_895 = vector.shape_cast %swap3A_894 : vector<1x16xi32> to vector<16xi32>
      %swap3A_896 = vector.shape_cast %add3A_890 : vector<16xi32> to vector<1x16xi32>
      tpu.vector_store %arg7[%swap3A_892, %swap3A_893], %swap3A_896 {strides = array<i32>} : memref<5x128xi32, #tpu.memory_space<vmem>>, vector<1x16xi32>,
      %get3A_897 = arith.constant 4 : i32
      %get3A_898 = arith.index_cast %select_n3A_304 : i32 to index
      %get3A_899 = arith.index_cast %get3A_897 : i32 to index
      %get3A_900 = arith.constant 96 : index
      %get3A_901 = tpu.vector_load %arg6[%get3A_898, %get3A_899, %get3A_900] {strides = array<i32>} : memref<2x9x128xi32, #tpu.memory_space<vmem>>, vector<1x1x16xi32>,
      %get3A_902 = vector.shape_cast %get3A_901 : vector<1x1x16xi32> to vector<16xi32>
      %get3A_903 = arith.constant 5 : i32
      %get3A_904 = arith.index_cast %select_n3A_304 : i32 to index
      %get3A_905 = arith.index_cast %get3A_903 : i32 to index
      %get3A_906 = arith.constant 96 : index
      %get3A_907 = tpu.vector_load %arg6[%get3A_904, %get3A_905, %get3A_906] {strides = array<i32>} : memref<2x9x128xi32, #tpu.memory_space<vmem>>, vector<1x1x16xi32>,
      %get3A_908 = vector.shape_cast %get3A_907 : vector<1x1x16xi32> to vector<16xi32>
      %mul3A_909 = arith.constant 100 : i32
      %mul3A_910 = vector.broadcast %mul3A_909 : i32 to vector<16xi32>
      %mul3A_911 = arith.muli %get3A_902, %mul3A_910 : vector<16xi32>
      %add3A_912 = arith.addi %mul3A_911, %get3A_908 : vector<16xi32>
      %add3A_913 = arith.constant 20000 : i32
      %add3A_914 = vector.broadcast %add3A_913 : i32 to vector<16xi32>
      %add3A_915 = arith.addi %add3A_912, %add3A_914 : vector<16xi32>
      %swap3A_916 = arith.constant 2 : i32
      %swap3A_917 = arith.index_cast %swap3A_916 : i32 to index
      %swap3A_918 = arith.constant 96 : index
      %swap3A_919 = tpu.vector_load %arg7[%swap3A_917, %swap3A_918] {strides = array<i32>} : memref<5x128xi32, #tpu.memory_space<vmem>>, vector<1x16xi32>,
      %swap3A_920 = vector.shape_cast %swap3A_919 : vector<1x16xi32> to vector<16xi32>
      %swap3A_921 = vector.shape_cast %add3A_915 : vector<16xi32> to vector<1x16xi32>
      tpu.vector_store %arg7[%swap3A_917, %swap3A_918], %swap3A_921 {strides = array<i32>} : memref<5x128xi32, #tpu.memory_space<vmem>>, vector<1x16xi32>,
      %get3A_922 = arith.constant 4 : i32
      %get3A_923 = arith.index_cast %select_n3A_304 : i32 to index
      %get3A_924 = arith.index_cast %get3A_922 : i32 to index
      %get3A_925 = arith.constant 112 : index
      %get3A_926 = tpu.vector_load %arg6[%get3A_923, %get3A_924, %get3A_925] {strides = array<i32>} : memref<2x9x128xi32, #tpu.memory_space<vmem>>, vector<1x1x16xi32>,
      %get3A_927 = vector.shape_cast %get3A_926 : vector<1x1x16xi32> to vector<16xi32>
      %get3A_928 = arith.constant 5 : i32
      %get3A_929 = arith.index_cast %select_n3A_304 : i32 to index
      %get3A_930 = arith.index_cast %get3A_928 : i32 to index
      %get3A_931 = arith.constant 112 : index
      %get3A_932 = tpu.vector_load %arg6[%get3A_929, %get3A_930, %get3A_931] {strides = array<i32>} : memref<2x9x128xi32, #tpu.memory_space<vmem>>, vector<1x1x16xi32>,
      %get3A_933 = vector.shape_cast %get3A_932 : vector<1x1x16xi32> to vector<16xi32>
      %mul3A_934 = arith.constant 100 : i32
      %mul3A_935 = vector.broadcast %mul3A_934 : i32 to vector<16xi32>
      %mul3A_936 = arith.muli %get3A_927, %mul3A_935 : vector<16xi32>
      %add3A_937 = arith.addi %mul3A_936, %get3A_933 : vector<16xi32>
      %add3A_938 = arith.constant 20000 : i32
      %add3A_939 = vector.broadcast %add3A_938 : i32 to vector<16xi32>
      %add3A_940 = arith.addi %add3A_937, %add3A_939 : vector<16xi32>
      %swap3A_941 = arith.constant 2 : i32
      %swap3A_942 = arith.index_cast %swap3A_941 : i32 to index
      %swap3A_943 = arith.constant 112 : index
      %swap3A_944 = tpu.vector_load %arg7[%swap3A_942, %swap3A_943] {strides = array<i32>} : memref<5x128xi32, #tpu.memory_space<vmem>>, vector<1x16xi32>,
      %swap3A_945 = vector.shape_cast %swap3A_944 : vector<1x16xi32> to vector<16xi32>
      %swap3A_946 = vector.shape_cast %add3A_940 : vector<16xi32> to vector<1x16xi32>
      tpu.vector_store %arg7[%swap3A_942, %swap3A_943], %swap3A_946 {strides = array<i32>} : memref<5x128xi32, #tpu.memory_space<vmem>>, vector<1x16xi32>,
      %dma_start3A_947 = arith.constant 2 : i32
      %dma_start3A_948 = arith.constant 2 : i32
      %dma_start3A_949 = arith.constant 0 : i32
      %dma_start3A_950 = arith.constant 0 : i32
      %dma_start3A_951 = tpu.memref_slice %arg8[%dma_start3A_948, %dma_start3A_949, %dma_start3A_950] : memref<5x128x128xf32, #tpu.memory_space<vmem>> -> memref<1x128x128xf32, #tpu.memory_space<vmem>>
      %dma_start3A_952 = tpu.memref_squeeze %dma_start3A_951 : memref<1x128x128xf32, #tpu.memory_space<vmem>> -> memref<128x128xf32, #tpu.memory_space<vmem>>
      %dma_start3A_953 = arith.constant 0 : i32
      %dma_start3A_954 = tpu.memref_slice %arg7[%dma_start3A_947, %dma_start3A_953] : memref<5x128xi32, #tpu.memory_space<vmem>> -> memref<1x128xi32, #tpu.memory_space<vmem>>
      %dma_start3A_955 = tpu.memref_squeeze %dma_start3A_954 : memref<1x128xi32, #tpu.memory_space<vmem>> -> memref<128xi32, #tpu.memory_space<vmem>>
      %dma_start3A_956 = arith.constant 0 : i32
      %dma_start3A_957 = arith.constant 0 : i32
      %dma_start3A_958 = tpu.memref_slice %arg3[%dma_start3A_956, %dma_start3A_957] : memref<40000x128xf32, #tpu.memory_space<hbm>> -> memref<40000x128xf32, #tpu.memory_space<hbm>>
      tpu.enqueue_indirect_dma source(%dma_start3A_958 : memref<40000x128xf32, #tpu.memory_space<hbm>>) target(%dma_start3A_952 : memref<128x128xf32, #tpu.memory_space<vmem>>) offsets(%dma_start3A_955 : memref<128xi32, #tpu.memory_space<vmem>>) semaphore(%arg15 : memref<!tpu.dma_semaphore, #tpu.memory_space<semaphore_mem>>)
      %get3A_959 = arith.constant 6 : i32
      %get3A_960 = arith.index_cast %select_n3A_304 : i32 to index
      %get3A_961 = arith.index_cast %get3A_959 : i32 to index
      %get3A_962 = arith.constant 0 : index
      %get3A_963 = tpu.vector_load %arg6[%get3A_960, %get3A_961, %get3A_962] {strides = array<i32>} : memref<2x9x128xi32, #tpu.memory_space<vmem>>, vector<1x1x16xi32>,
      %get3A_964 = vector.shape_cast %get3A_963 : vector<1x1x16xi32> to vector<16xi32>
      %get3A_965 = arith.constant 7 : i32
      %get3A_966 = arith.index_cast %select_n3A_304 : i32 to index
      %get3A_967 = arith.index_cast %get3A_965 : i32 to index
      %get3A_968 = arith.constant 0 : index
      %get3A_969 = tpu.vector_load %arg6[%get3A_966, %get3A_967, %get3A_968] {strides = array<i32>} : memref<2x9x128xi32, #tpu.memory_space<vmem>>, vector<1x1x16xi32>,
      %get3A_970 = vector.shape_cast %get3A_969 : vector<1x1x16xi32> to vector<16xi32>
      %mul3A_971 = arith.constant 100 : i32
      %mul3A_972 = vector.broadcast %mul3A_971 : i32 to vector<16xi32>
      %mul3A_973 = arith.muli %get3A_964, %mul3A_972 : vector<16xi32>
      %add3A_974 = arith.addi %mul3A_973, %get3A_970 : vector<16xi32>
      %add3A_975 = arith.constant 30000 : i32
      %add3A_976 = vector.broadcast %add3A_975 : i32 to vector<16xi32>
      %add3A_977 = arith.addi %add3A_974, %add3A_976 : vector<16xi32>
      %swap3A_978 = arith.constant 3 : i32
      %swap3A_979 = arith.index_cast %swap3A_978 : i32 to index
      %swap3A_980 = arith.constant 0 : index
      %swap3A_981 = tpu.vector_load %arg7[%swap3A_979, %swap3A_980] {strides = array<i32>} : memref<5x128xi32, #tpu.memory_space<vmem>>, vector<1x16xi32>,
      %swap3A_982 = vector.shape_cast %swap3A_981 : vector<1x16xi32> to vector<16xi32>
      %swap3A_983 = vector.shape_cast %add3A_977 : vector<16xi32> to vector<1x16xi32>
      tpu.vector_store %arg7[%swap3A_979, %swap3A_980], %swap3A_983 {strides = array<i32>} : memref<5x128xi32, #tpu.memory_space<vmem>>, vector<1x16xi32>,
      %get3A_984 = arith.constant 6 : i32
      %get3A_985 = arith.index_cast %select_n3A_304 : i32 to index
      %get3A_986 = arith.index_cast %get3A_984 : i32 to index
      %get3A_987 = arith.constant 16 : index
      %get3A_988 = tpu.vector_load %arg6[%get3A_985, %get3A_986, %get3A_987] {strides = array<i32>} : memref<2x9x128xi32, #tpu.memory_space<vmem>>, vector<1x1x16xi32>,
      %get3A_989 = vector.shape_cast %get3A_988 : vector<1x1x16xi32> to vector<16xi32>
      %get3A_990 = arith.constant 7 : i32
      %get3A_991 = arith.index_cast %select_n3A_304 : i32 to index
      %get3A_992 = arith.index_cast %get3A_990 : i32 to index
      %get3A_993 = arith.constant 16 : index
      %get3A_994 = tpu.vector_load %arg6[%get3A_991, %get3A_992, %get3A_993] {strides = array<i32>} : memref<2x9x128xi32, #tpu.memory_space<vmem>>, vector<1x1x16xi32>,
      %get3A_995 = vector.shape_cast %get3A_994 : vector<1x1x16xi32> to vector<16xi32>
      %mul3A_996 = arith.constant 100 : i32
      %mul3A_997 = vector.broadcast %mul3A_996 : i32 to vector<16xi32>
      %mul3A_998 = arith.muli %get3A_989, %mul3A_997 : vector<16xi32>
      %add3A_999 = arith.addi %mul3A_998, %get3A_995 : vector<16xi32>
      %add3A_1000 = arith.constant 30000 : i32
      %add3A_1001 = vector.broadcast %add3A_1000 : i32 to vector<16xi32>
      %add3A_1002 = arith.addi %add3A_999, %add3A_1001 : vector<16xi32>
      %swap3A_1003 = arith.constant 3 : i32
      %swap3A_1004 = arith.index_cast %swap3A_1003 : i32 to index
      %swap3A_1005 = arith.constant 16 : index
      %swap3A_1006 = tpu.vector_load %arg7[%swap3A_1004, %swap3A_1005] {strides = array<i32>} : memref<5x128xi32, #tpu.memory_space<vmem>>, vector<1x16xi32>,
      %swap3A_1007 = vector.shape_cast %swap3A_1006 : vector<1x16xi32> to vector<16xi32>
      %swap3A_1008 = vector.shape_cast %add3A_1002 : vector<16xi32> to vector<1x16xi32>
      tpu.vector_store %arg7[%swap3A_1004, %swap3A_1005], %swap3A_1008 {strides = array<i32>} : memref<5x128xi32, #tpu.memory_space<vmem>>, vector<1x16xi32>,
      %get3A_1009 = arith.constant 6 : i32
      %get3A_1010 = arith.index_cast %select_n3A_304 : i32 to index
      %get3A_1011 = arith.index_cast %get3A_1009 : i32 to index
      %get3A_1012 = arith.constant 32 : index
      %get3A_1013 = tpu.vector_load %arg6[%get3A_1010, %get3A_1011, %get3A_1012] {strides = array<i32>} : memref<2x9x128xi32, #tpu.memory_space<vmem>>, vector<1x1x16xi32>,
      %get3A_1014 = vector.shape_cast %get3A_1013 : vector<1x1x16xi32> to vector<16xi32>
      %get3A_1015 = arith.constant 7 : i32
      %get3A_1016 = arith.index_cast %select_n3A_304 : i32 to index
      %get3A_1017 = arith.index_cast %get3A_1015 : i32 to index
      %get3A_1018 = arith.constant 32 : index
      %get3A_1019 = tpu.vector_load %arg6[%get3A_1016, %get3A_1017, %get3A_1018] {strides = array<i32>} : memref<2x9x128xi32, #tpu.memory_space<vmem>>, vector<1x1x16xi32>,
      %get3A_1020 = vector.shape_cast %get3A_1019 : vector<1x1x16xi32> to vector<16xi32>
      %mul3A_1021 = arith.constant 100 : i32
      %mul3A_1022 = vector.broadcast %mul3A_1021 : i32 to vector<16xi32>
      %mul3A_1023 = arith.muli %get3A_1014, %mul3A_1022 : vector<16xi32>
      %add3A_1024 = arith.addi %mul3A_1023, %get3A_1020 : vector<16xi32>
      %add3A_1025 = arith.constant 30000 : i32
      %add3A_1026 = vector.broadcast %add3A_1025 : i32 to vector<16xi32>
      %add3A_1027 = arith.addi %add3A_1024, %add3A_1026 : vector<16xi32>
      %swap3A_1028 = arith.constant 3 : i32
      %swap3A_1029 = arith.index_cast %swap3A_1028 : i32 to index
      %swap3A_1030 = arith.constant 32 : index
      %swap3A_1031 = tpu.vector_load %arg7[%swap3A_1029, %swap3A_1030] {strides = array<i32>} : memref<5x128xi32, #tpu.memory_space<vmem>>, vector<1x16xi32>,
      %swap3A_1032 = vector.shape_cast %swap3A_1031 : vector<1x16xi32> to vector<16xi32>
      %swap3A_1033 = vector.shape_cast %add3A_1027 : vector<16xi32> to vector<1x16xi32>
      tpu.vector_store %arg7[%swap3A_1029, %swap3A_1030], %swap3A_1033 {strides = array<i32>} : memref<5x128xi32, #tpu.memory_space<vmem>>, vector<1x16xi32>,
      %get3A_1034 = arith.constant 6 : i32
      %get3A_1035 = arith.index_cast %select_n3A_304 : i32 to index
      %get3A_1036 = arith.index_cast %get3A_1034 : i32 to index
      %get3A_1037 = arith.constant 48 : index
      %get3A_1038 = tpu.vector_load %arg6[%get3A_1035, %get3A_1036, %get3A_1037] {strides = array<i32>} : memref<2x9x128xi32, #tpu.memory_space<vmem>>, vector<1x1x16xi32>,
      %get3A_1039 = vector.shape_cast %get3A_1038 : vector<1x1x16xi32> to vector<16xi32>
      %get3A_1040 = arith.constant 7 : i32
      %get3A_1041 = arith.index_cast %select_n3A_304 : i32 to index
      %get3A_1042 = arith.index_cast %get3A_1040 : i32 to index
      %get3A_1043 = arith.constant 48 : index
      %get3A_1044 = tpu.vector_load %arg6[%get3A_1041, %get3A_1042, %get3A_1043] {strides = array<i32>} : memref<2x9x128xi32, #tpu.memory_space<vmem>>, vector<1x1x16xi32>,
      %get3A_1045 = vector.shape_cast %get3A_1044 : vector<1x1x16xi32> to vector<16xi32>
      %mul3A_1046 = arith.constant 100 : i32
      %mul3A_1047 = vector.broadcast %mul3A_1046 : i32 to vector<16xi32>
      %mul3A_1048 = arith.muli %get3A_1039, %mul3A_1047 : vector<16xi32>
      %add3A_1049 = arith.addi %mul3A_1048, %get3A_1045 : vector<16xi32>
      %add3A_1050 = arith.constant 30000 : i32
      %add3A_1051 = vector.broadcast %add3A_1050 : i32 to vector<16xi32>
      %add3A_1052 = arith.addi %add3A_1049, %add3A_1051 : vector<16xi32>
      %swap3A_1053 = arith.constant 3 : i32
      %swap3A_1054 = arith.index_cast %swap3A_1053 : i32 to index
      %swap3A_1055 = arith.constant 48 : index
      %swap3A_1056 = tpu.vector_load %arg7[%swap3A_1054, %swap3A_1055] {strides = array<i32>} : memref<5x128xi32, #tpu.memory_space<vmem>>, vector<1x16xi32>,
      %swap3A_1057 = vector.shape_cast %swap3A_1056 : vector<1x16xi32> to vector<16xi32>
      %swap3A_1058 = vector.shape_cast %add3A_1052 : vector<16xi32> to vector<1x16xi32>
      tpu.vector_store %arg7[%swap3A_1054, %swap3A_1055], %swap3A_1058 {strides = array<i32>} : memref<5x128xi32, #tpu.memory_space<vmem>>, vector<1x16xi32>,
      %get3A_1059 = arith.constant 6 : i32
      %get3A_1060 = arith.index_cast %select_n3A_304 : i32 to index
      %get3A_1061 = arith.index_cast %get3A_1059 : i32 to index
      %get3A_1062 = arith.constant 64 : index
      %get3A_1063 = tpu.vector_load %arg6[%get3A_1060, %get3A_1061, %get3A_1062] {strides = array<i32>} : memref<2x9x128xi32, #tpu.memory_space<vmem>>, vector<1x1x16xi32>,
      %get3A_1064 = vector.shape_cast %get3A_1063 : vector<1x1x16xi32> to vector<16xi32>
      %get3A_1065 = arith.constant 7 : i32
      %get3A_1066 = arith.index_cast %select_n3A_304 : i32 to index
      %get3A_1067 = arith.index_cast %get3A_1065 : i32 to index
      %get3A_1068 = arith.constant 64 : index
      %get3A_1069 = tpu.vector_load %arg6[%get3A_1066, %get3A_1067, %get3A_1068] {strides = array<i32>} : memref<2x9x128xi32, #tpu.memory_space<vmem>>, vector<1x1x16xi32>,
      %get3A_1070 = vector.shape_cast %get3A_1069 : vector<1x1x16xi32> to vector<16xi32>
      %mul3A_1071 = arith.constant 100 : i32
      %mul3A_1072 = vector.broadcast %mul3A_1071 : i32 to vector<16xi32>
      %mul3A_1073 = arith.muli %get3A_1064, %mul3A_1072 : vector<16xi32>
      %add3A_1074 = arith.addi %mul3A_1073, %get3A_1070 : vector<16xi32>
      %add3A_1075 = arith.constant 30000 : i32
      %add3A_1076 = vector.broadcast %add3A_1075 : i32 to vector<16xi32>
      %add3A_1077 = arith.addi %add3A_1074, %add3A_1076 : vector<16xi32>
      %swap3A_1078 = arith.constant 3 : i32
      %swap3A_1079 = arith.index_cast %swap3A_1078 : i32 to index
      %swap3A_1080 = arith.constant 64 : index
      %swap3A_1081 = tpu.vector_load %arg7[%swap3A_1079, %swap3A_1080] {strides = array<i32>} : memref<5x128xi32, #tpu.memory_space<vmem>>, vector<1x16xi32>,
      %swap3A_1082 = vector.shape_cast %swap3A_1081 : vector<1x16xi32> to vector<16xi32>
      %swap3A_1083 = vector.shape_cast %add3A_1077 : vector<16xi32> to vector<1x16xi32>
      tpu.vector_store %arg7[%swap3A_1079, %swap3A_1080], %swap3A_1083 {strides = array<i32>} : memref<5x128xi32, #tpu.memory_space<vmem>>, vector<1x16xi32>,
      %get3A_1084 = arith.constant 6 : i32
      %get3A_1085 = arith.index_cast %select_n3A_304 : i32 to index
      %get3A_1086 = arith.index_cast %get3A_1084 : i32 to index
      %get3A_1087 = arith.constant 80 : index
      %get3A_1088 = tpu.vector_load %arg6[%get3A_1085, %get3A_1086, %get3A_1087] {strides = array<i32>} : memref<2x9x128xi32, #tpu.memory_space<vmem>>, vector<1x1x16xi32>,
      %get3A_1089 = vector.shape_cast %get3A_1088 : vector<1x1x16xi32> to vector<16xi32>
      %get3A_1090 = arith.constant 7 : i32
      %get3A_1091 = arith.index_cast %select_n3A_304 : i32 to index
      %get3A_1092 = arith.index_cast %get3A_1090 : i32 to index
      %get3A_1093 = arith.constant 80 : index
      %get3A_1094 = tpu.vector_load %arg6[%get3A_1091, %get3A_1092, %get3A_1093] {strides = array<i32>} : memref<2x9x128xi32, #tpu.memory_space<vmem>>, vector<1x1x16xi32>,
      %get3A_1095 = vector.shape_cast %get3A_1094 : vector<1x1x16xi32> to vector<16xi32>
      %mul3A_1096 = arith.constant 100 : i32
      %mul3A_1097 = vector.broadcast %mul3A_1096 : i32 to vector<16xi32>
      %mul3A_1098 = arith.muli %get3A_1089, %mul3A_1097 : vector<16xi32>
      %add3A_1099 = arith.addi %mul3A_1098, %get3A_1095 : vector<16xi32>
      %add3A_1100 = arith.constant 30000 : i32
      %add3A_1101 = vector.broadcast %add3A_1100 : i32 to vector<16xi32>
      %add3A_1102 = arith.addi %add3A_1099, %add3A_1101 : vector<16xi32>
      %swap3A_1103 = arith.constant 3 : i32
      %swap3A_1104 = arith.index_cast %swap3A_1103 : i32 to index
      %swap3A_1105 = arith.constant 80 : index
      %swap3A_1106 = tpu.vector_load %arg7[%swap3A_1104, %swap3A_1105] {strides = array<i32>} : memref<5x128xi32, #tpu.memory_space<vmem>>, vector<1x16xi32>,
      %swap3A_1107 = vector.shape_cast %swap3A_1106 : vector<1x16xi32> to vector<16xi32>
      %swap3A_1108 = vector.shape_cast %add3A_1102 : vector<16xi32> to vector<1x16xi32>
      tpu.vector_store %arg7[%swap3A_1104, %swap3A_1105], %swap3A_1108 {strides = array<i32>} : memref<5x128xi32, #tpu.memory_space<vmem>>, vector<1x16xi32>,
      %get3A_1109 = arith.constant 6 : i32
      %get3A_1110 = arith.index_cast %select_n3A_304 : i32 to index
      %get3A_1111 = arith.index_cast %get3A_1109 : i32 to index
      %get3A_1112 = arith.constant 96 : index
      %get3A_1113 = tpu.vector_load %arg6[%get3A_1110, %get3A_1111, %get3A_1112] {strides = array<i32>} : memref<2x9x128xi32, #tpu.memory_space<vmem>>, vector<1x1x16xi32>,
      %get3A_1114 = vector.shape_cast %get3A_1113 : vector<1x1x16xi32> to vector<16xi32>
      %get3A_1115 = arith.constant 7 : i32
      %get3A_1116 = arith.index_cast %select_n3A_304 : i32 to index
      %get3A_1117 = arith.index_cast %get3A_1115 : i32 to index
      %get3A_1118 = arith.constant 96 : index
      %get3A_1119 = tpu.vector_load %arg6[%get3A_1116, %get3A_1117, %get3A_1118] {strides = array<i32>} : memref<2x9x128xi32, #tpu.memory_space<vmem>>, vector<1x1x16xi32>,
      %get3A_1120 = vector.shape_cast %get3A_1119 : vector<1x1x16xi32> to vector<16xi32>
      %mul3A_1121 = arith.constant 100 : i32
      %mul3A_1122 = vector.broadcast %mul3A_1121 : i32 to vector<16xi32>
      %mul3A_1123 = arith.muli %get3A_1114, %mul3A_1122 : vector<16xi32>
      %add3A_1124 = arith.addi %mul3A_1123, %get3A_1120 : vector<16xi32>
      %add3A_1125 = arith.constant 30000 : i32
      %add3A_1126 = vector.broadcast %add3A_1125 : i32 to vector<16xi32>
      %add3A_1127 = arith.addi %add3A_1124, %add3A_1126 : vector<16xi32>
      %swap3A_1128 = arith.constant 3 : i32
      %swap3A_1129 = arith.index_cast %swap3A_1128 : i32 to index
      %swap3A_1130 = arith.constant 96 : index
      %swap3A_1131 = tpu.vector_load %arg7[%swap3A_1129, %swap3A_1130] {strides = array<i32>} : memref<5x128xi32, #tpu.memory_space<vmem>>, vector<1x16xi32>,
      %swap3A_1132 = vector.shape_cast %swap3A_1131 : vector<1x16xi32> to vector<16xi32>
      %swap3A_1133 = vector.shape_cast %add3A_1127 : vector<16xi32> to vector<1x16xi32>
      tpu.vector_store %arg7[%swap3A_1129, %swap3A_1130], %swap3A_1133 {strides = array<i32>} : memref<5x128xi32, #tpu.memory_space<vmem>>, vector<1x16xi32>,
      %get3A_1134 = arith.constant 6 : i32
      %get3A_1135 = arith.index_cast %select_n3A_304 : i32 to index
      %get3A_1136 = arith.index_cast %get3A_1134 : i32 to index
      %get3A_1137 = arith.constant 112 : index
      %get3A_1138 = tpu.vector_load %arg6[%get3A_1135, %get3A_1136, %get3A_1137] {strides = array<i32>} : memref<2x9x128xi32, #tpu.memory_space<vmem>>, vector<1x1x16xi32>,
      %get3A_1139 = vector.shape_cast %get3A_1138 : vector<1x1x16xi32> to vector<16xi32>
      %get3A_1140 = arith.constant 7 : i32
      %get3A_1141 = arith.index_cast %select_n3A_304 : i32 to index
      %get3A_1142 = arith.index_cast %get3A_1140 : i32 to index
      %get3A_1143 = arith.constant 112 : index
      %get3A_1144 = tpu.vector_load %arg6[%get3A_1141, %get3A_1142, %get3A_1143] {strides = array<i32>} : memref<2x9x128xi32, #tpu.memory_space<vmem>>, vector<1x1x16xi32>,
      %get3A_1145 = vector.shape_cast %get3A_1144 : vector<1x1x16xi32> to vector<16xi32>
      %mul3A_1146 = arith.constant 100 : i32
      %mul3A_1147 = vector.broadcast %mul3A_1146 : i32 to vector<16xi32>
      %mul3A_1148 = arith.muli %get3A_1139, %mul3A_1147 : vector<16xi32>
      %add3A_1149 = arith.addi %mul3A_1148, %get3A_1145 : vector<16xi32>
      %add3A_1150 = arith.constant 30000 : i32
      %add3A_1151 = vector.broadcast %add3A_1150 : i32 to vector<16xi32>
      %add3A_1152 = arith.addi %add3A_1149, %add3A_1151 : vector<16xi32>
      %swap3A_1153 = arith.constant 3 : i32
      %swap3A_1154 = arith.index_cast %swap3A_1153 : i32 to index
      %swap3A_1155 = arith.constant 112 : index
      %swap3A_1156 = tpu.vector_load %arg7[%swap3A_1154, %swap3A_1155] {strides = array<i32>} : memref<5x128xi32, #tpu.memory_space<vmem>>, vector<1x16xi32>,
      %swap3A_1157 = vector.shape_cast %swap3A_1156 : vector<1x16xi32> to vector<16xi32>
      %swap3A_1158 = vector.shape_cast %add3A_1152 : vector<16xi32> to vector<1x16xi32>
      tpu.vector_store %arg7[%swap3A_1154, %swap3A_1155], %swap3A_1158 {strides = array<i32>} : memref<5x128xi32, #tpu.memory_space<vmem>>, vector<1x16xi32>,
      %dma_start3A_1159 = arith.constant 3 : i32
      %dma_start3A_1160 = arith.constant 3 : i32
      %dma_start3A_1161 = arith.constant 0 : i32
      %dma_start3A_1162 = arith.constant 0 : i32
      %dma_start3A_1163 = tpu.memref_slice %arg8[%dma_start3A_1160, %dma_start3A_1161, %dma_start3A_1162] : memref<5x128x128xf32, #tpu.memory_space<vmem>> -> memref<1x128x128xf32, #tpu.memory_space<vmem>>
      %dma_start3A_1164 = tpu.memref_squeeze %dma_start3A_1163 : memref<1x128x128xf32, #tpu.memory_space<vmem>> -> memref<128x128xf32, #tpu.memory_space<vmem>>
      %dma_start3A_1165 = arith.constant 0 : i32
      %dma_start3A_1166 = tpu.memref_slice %arg7[%dma_start3A_1159, %dma_start3A_1165] : memref<5x128xi32, #tpu.memory_space<vmem>> -> memref<1x128xi32, #tpu.memory_space<vmem>>
      %dma_start3A_1167 = tpu.memref_squeeze %dma_start3A_1166 : memref<1x128xi32, #tpu.memory_space<vmem>> -> memref<128xi32, #tpu.memory_space<vmem>>
      %dma_start3A_1168 = arith.constant 0 : i32
      %dma_start3A_1169 = arith.constant 0 : i32
      %dma_start3A_1170 = tpu.memref_slice %arg3[%dma_start3A_1168, %dma_start3A_1169] : memref<40000x128xf32, #tpu.memory_space<hbm>> -> memref<40000x128xf32, #tpu.memory_space<hbm>>
      tpu.enqueue_indirect_dma source(%dma_start3A_1170 : memref<40000x128xf32, #tpu.memory_space<hbm>>) target(%dma_start3A_1164 : memref<128x128xf32, #tpu.memory_space<vmem>>) offsets(%dma_start3A_1167 : memref<128xi32, #tpu.memory_space<vmem>>) semaphore(%arg16 : memref<!tpu.dma_semaphore, #tpu.memory_space<semaphore_mem>>)
      %get3A_1171 = arith.constant 8 : i32
      %get3A_1172 = arith.index_cast %select_n3A_304 : i32 to index
      %get3A_1173 = arith.index_cast %get3A_1171 : i32 to index
      %get3A_1174 = arith.constant 0 : index
      %get3A_1175 = tpu.vector_load %arg6[%get3A_1172, %get3A_1173, %get3A_1174] {strides = array<i32>} : memref<2x9x128xi32, #tpu.memory_space<vmem>>, vector<1x1x16xi32>,
      %get3A_1176 = vector.shape_cast %get3A_1175 : vector<1x1x16xi32> to vector<16xi32>
      %swap3A_1177 = arith.constant 4 : i32
      %swap3A_1178 = arith.index_cast %swap3A_1177 : i32 to index
      %swap3A_1179 = arith.constant 0 : index
      %swap3A_1180 = tpu.vector_load %arg7[%swap3A_1178, %swap3A_1179] {strides = array<i32>} : memref<5x128xi32, #tpu.memory_space<vmem>>, vector<1x16xi32>,
      %swap3A_1181 = vector.shape_cast %swap3A_1180 : vector<1x16xi32> to vector<16xi32>
      %swap3A_1182 = vector.shape_cast %get3A_1176 : vector<16xi32> to vector<1x16xi32>
      tpu.vector_store %arg7[%swap3A_1178, %swap3A_1179], %swap3A_1182 {strides = array<i32>} : memref<5x128xi32, #tpu.memory_space<vmem>>, vector<1x16xi32>,
      %get3A_1183 = arith.constant 8 : i32
      %get3A_1184 = arith.index_cast %select_n3A_304 : i32 to index
      %get3A_1185 = arith.index_cast %get3A_1183 : i32 to index
      %get3A_1186 = arith.constant 16 : index
      %get3A_1187 = tpu.vector_load %arg6[%get3A_1184, %get3A_1185, %get3A_1186] {strides = array<i32>} : memref<2x9x128xi32, #tpu.memory_space<vmem>>, vector<1x1x16xi32>,
      %get3A_1188 = vector.shape_cast %get3A_1187 : vector<1x1x16xi32> to vector<16xi32>
      %swap3A_1189 = arith.constant 4 : i32
      %swap3A_1190 = arith.index_cast %swap3A_1189 : i32 to index
      %swap3A_1191 = arith.constant 16 : index
      %swap3A_1192 = tpu.vector_load %arg7[%swap3A_1190, %swap3A_1191] {strides = array<i32>} : memref<5x128xi32, #tpu.memory_space<vmem>>, vector<1x16xi32>,
      %swap3A_1193 = vector.shape_cast %swap3A_1192 : vector<1x16xi32> to vector<16xi32>
      %swap3A_1194 = vector.shape_cast %get3A_1188 : vector<16xi32> to vector<1x16xi32>
      tpu.vector_store %arg7[%swap3A_1190, %swap3A_1191], %swap3A_1194 {strides = array<i32>} : memref<5x128xi32, #tpu.memory_space<vmem>>, vector<1x16xi32>,
      %get3A_1195 = arith.constant 8 : i32
      %get3A_1196 = arith.index_cast %select_n3A_304 : i32 to index
      %get3A_1197 = arith.index_cast %get3A_1195 : i32 to index
      %get3A_1198 = arith.constant 32 : index
      %get3A_1199 = tpu.vector_load %arg6[%get3A_1196, %get3A_1197, %get3A_1198] {strides = array<i32>} : memref<2x9x128xi32, #tpu.memory_space<vmem>>, vector<1x1x16xi32>,
      %get3A_1200 = vector.shape_cast %get3A_1199 : vector<1x1x16xi32> to vector<16xi32>
      %swap3A_1201 = arith.constant 4 : i32
      %swap3A_1202 = arith.index_cast %swap3A_1201 : i32 to index
      %swap3A_1203 = arith.constant 32 : index
      %swap3A_1204 = tpu.vector_load %arg7[%swap3A_1202, %swap3A_1203] {strides = array<i32>} : memref<5x128xi32, #tpu.memory_space<vmem>>, vector<1x16xi32>,
      %swap3A_1205 = vector.shape_cast %swap3A_1204 : vector<1x16xi32> to vector<16xi32>
      %swap3A_1206 = vector.shape_cast %get3A_1200 : vector<16xi32> to vector<1x16xi32>
      tpu.vector_store %arg7[%swap3A_1202, %swap3A_1203], %swap3A_1206 {strides = array<i32>} : memref<5x128xi32, #tpu.memory_space<vmem>>, vector<1x16xi32>,
      %get3A_1207 = arith.constant 8 : i32
      %get3A_1208 = arith.index_cast %select_n3A_304 : i32 to index
      %get3A_1209 = arith.index_cast %get3A_1207 : i32 to index
      %get3A_1210 = arith.constant 48 : index
      %get3A_1211 = tpu.vector_load %arg6[%get3A_1208, %get3A_1209, %get3A_1210] {strides = array<i32>} : memref<2x9x128xi32, #tpu.memory_space<vmem>>, vector<1x1x16xi32>,
      %get3A_1212 = vector.shape_cast %get3A_1211 : vector<1x1x16xi32> to vector<16xi32>
      %swap3A_1213 = arith.constant 4 : i32
      %swap3A_1214 = arith.index_cast %swap3A_1213 : i32 to index
      %swap3A_1215 = arith.constant 48 : index
      %swap3A_1216 = tpu.vector_load %arg7[%swap3A_1214, %swap3A_1215] {strides = array<i32>} : memref<5x128xi32, #tpu.memory_space<vmem>>, vector<1x16xi32>,
      %swap3A_1217 = vector.shape_cast %swap3A_1216 : vector<1x16xi32> to vector<16xi32>
      %swap3A_1218 = vector.shape_cast %get3A_1212 : vector<16xi32> to vector<1x16xi32>
      tpu.vector_store %arg7[%swap3A_1214, %swap3A_1215], %swap3A_1218 {strides = array<i32>} : memref<5x128xi32, #tpu.memory_space<vmem>>, vector<1x16xi32>,
      %get3A_1219 = arith.constant 8 : i32
      %get3A_1220 = arith.index_cast %select_n3A_304 : i32 to index
      %get3A_1221 = arith.index_cast %get3A_1219 : i32 to index
      %get3A_1222 = arith.constant 64 : index
      %get3A_1223 = tpu.vector_load %arg6[%get3A_1220, %get3A_1221, %get3A_1222] {strides = array<i32>} : memref<2x9x128xi32, #tpu.memory_space<vmem>>, vector<1x1x16xi32>,
      %get3A_1224 = vector.shape_cast %get3A_1223 : vector<1x1x16xi32> to vector<16xi32>
      %swap3A_1225 = arith.constant 4 : i32
      %swap3A_1226 = arith.index_cast %swap3A_1225 : i32 to index
      %swap3A_1227 = arith.constant 64 : index
      %swap3A_1228 = tpu.vector_load %arg7[%swap3A_1226, %swap3A_1227] {strides = array<i32>} : memref<5x128xi32, #tpu.memory_space<vmem>>, vector<1x16xi32>,
      %swap3A_1229 = vector.shape_cast %swap3A_1228 : vector<1x16xi32> to vector<16xi32>
      %swap3A_1230 = vector.shape_cast %get3A_1224 : vector<16xi32> to vector<1x16xi32>
      tpu.vector_store %arg7[%swap3A_1226, %swap3A_1227], %swap3A_1230 {strides = array<i32>} : memref<5x128xi32, #tpu.memory_space<vmem>>, vector<1x16xi32>,
      %get3A_1231 = arith.constant 8 : i32
      %get3A_1232 = arith.index_cast %select_n3A_304 : i32 to index
      %get3A_1233 = arith.index_cast %get3A_1231 : i32 to index
      %get3A_1234 = arith.constant 80 : index
      %get3A_1235 = tpu.vector_load %arg6[%get3A_1232, %get3A_1233, %get3A_1234] {strides = array<i32>} : memref<2x9x128xi32, #tpu.memory_space<vmem>>, vector<1x1x16xi32>,
      %get3A_1236 = vector.shape_cast %get3A_1235 : vector<1x1x16xi32> to vector<16xi32>
      %swap3A_1237 = arith.constant 4 : i32
      %swap3A_1238 = arith.index_cast %swap3A_1237 : i32 to index
      %swap3A_1239 = arith.constant 80 : index
      %swap3A_1240 = tpu.vector_load %arg7[%swap3A_1238, %swap3A_1239] {strides = array<i32>} : memref<5x128xi32, #tpu.memory_space<vmem>>, vector<1x16xi32>,
      %swap3A_1241 = vector.shape_cast %swap3A_1240 : vector<1x16xi32> to vector<16xi32>
      %swap3A_1242 = vector.shape_cast %get3A_1236 : vector<16xi32> to vector<1x16xi32>
      tpu.vector_store %arg7[%swap3A_1238, %swap3A_1239], %swap3A_1242 {strides = array<i32>} : memref<5x128xi32, #tpu.memory_space<vmem>>, vector<1x16xi32>,
      %get3A_1243 = arith.constant 8 : i32
      %get3A_1244 = arith.index_cast %select_n3A_304 : i32 to index
      %get3A_1245 = arith.index_cast %get3A_1243 : i32 to index
      %get3A_1246 = arith.constant 96 : index
      %get3A_1247 = tpu.vector_load %arg6[%get3A_1244, %get3A_1245, %get3A_1246] {strides = array<i32>} : memref<2x9x128xi32, #tpu.memory_space<vmem>>, vector<1x1x16xi32>,
      %get3A_1248 = vector.shape_cast %get3A_1247 : vector<1x1x16xi32> to vector<16xi32>
      %swap3A_1249 = arith.constant 4 : i32
      %swap3A_1250 = arith.index_cast %swap3A_1249 : i32 to index
      %swap3A_1251 = arith.constant 96 : index
      %swap3A_1252 = tpu.vector_load %arg7[%swap3A_1250, %swap3A_1251] {strides = array<i32>} : memref<5x128xi32, #tpu.memory_space<vmem>>, vector<1x16xi32>,
      %swap3A_1253 = vector.shape_cast %swap3A_1252 : vector<1x16xi32> to vector<16xi32>
      %swap3A_1254 = vector.shape_cast %get3A_1248 : vector<16xi32> to vector<1x16xi32>
      tpu.vector_store %arg7[%swap3A_1250, %swap3A_1251], %swap3A_1254 {strides = array<i32>} : memref<5x128xi32, #tpu.memory_space<vmem>>, vector<1x16xi32>,
      %get3A_1255 = arith.constant 8 : i32
      %get3A_1256 = arith.index_cast %select_n3A_304 : i32 to index
      %get3A_1257 = arith.index_cast %get3A_1255 : i32 to index
      %get3A_1258 = arith.constant 112 : index
      %get3A_1259 = tpu.vector_load %arg6[%get3A_1256, %get3A_1257, %get3A_1258] {strides = array<i32>} : memref<2x9x128xi32, #tpu.memory_space<vmem>>, vector<1x1x16xi32>,
      %get3A_1260 = vector.shape_cast %get3A_1259 : vector<1x1x16xi32> to vector<16xi32>
      %swap3A_1261 = arith.constant 4 : i32
      %swap3A_1262 = arith.index_cast %swap3A_1261 : i32 to index
      %swap3A_1263 = arith.constant 112 : index
      %swap3A_1264 = tpu.vector_load %arg7[%swap3A_1262, %swap3A_1263] {strides = array<i32>} : memref<5x128xi32, #tpu.memory_space<vmem>>, vector<1x16xi32>,
      %swap3A_1265 = vector.shape_cast %swap3A_1264 : vector<1x16xi32> to vector<16xi32>
      %swap3A_1266 = vector.shape_cast %get3A_1260 : vector<16xi32> to vector<1x16xi32>
      tpu.vector_store %arg7[%swap3A_1262, %swap3A_1263], %swap3A_1266 {strides = array<i32>} : memref<5x128xi32, #tpu.memory_space<vmem>>, vector<1x16xi32>,
      %dma_start3A_1267 = arith.constant 4 : i32
      %dma_start3A_1268 = arith.constant 4 : i32
      %dma_start3A_1269 = arith.constant 0 : i32
      %dma_start3A_1270 = arith.constant 0 : i32
      %dma_start3A_1271 = tpu.memref_slice %arg8[%dma_start3A_1268, %dma_start3A_1269, %dma_start3A_1270] : memref<5x128x128xf32, #tpu.memory_space<vmem>> -> memref<1x128x128xf32, #tpu.memory_space<vmem>>
      %dma_start3A_1272 = tpu.memref_squeeze %dma_start3A_1271 : memref<1x128x128xf32, #tpu.memory_space<vmem>> -> memref<128x128xf32, #tpu.memory_space<vmem>>
      %dma_start3A_1273 = arith.constant 0 : i32
      %dma_start3A_1274 = tpu.memref_slice %arg7[%dma_start3A_1267, %dma_start3A_1273] : memref<5x128xi32, #tpu.memory_space<vmem>> -> memref<1x128xi32, #tpu.memory_space<vmem>>
      %dma_start3A_1275 = tpu.memref_squeeze %dma_start3A_1274 : memref<1x128xi32, #tpu.memory_space<vmem>> -> memref<128xi32, #tpu.memory_space<vmem>>
      %dma_start3A_1276 = arith.constant 0 : i32
      %dma_start3A_1277 = arith.constant 0 : i32
      %dma_start3A_1278 = tpu.memref_slice %arg4[%dma_start3A_1276, %dma_start3A_1277] : memref<100x128xf32, #tpu.memory_space<hbm>> -> memref<100x128xf32, #tpu.memory_space<hbm>>
      tpu.enqueue_indirect_dma source(%dma_start3A_1278 : memref<100x128xf32, #tpu.memory_space<hbm>>) target(%dma_start3A_1272 : memref<128x128xf32, #tpu.memory_space<vmem>>) offsets(%dma_start3A_1275 : memref<128xi32, #tpu.memory_space<vmem>>) semaphore(%arg17 : memref<!tpu.dma_semaphore, #tpu.memory_space<semaphore_mem>>)
      %add3A_1279 = arith.constant 1 : i32
      %add3A_1280 = arith.addi %scan3A_295, %add3A_1279 : i32
      %mul3A_1281 = arith.constant 32 : i32
      %mul3A_1282 = arith.muli %add3A, %mul3A_1281 : i32
      %add3A_1283 = arith.addi %mul3A_1282, %add3A_1280 : i32
      %min3A_1284 = arith.constant 1023 : i32
      %min3A_1285 = arith.minsi %add3A_1283, %min3A_1284 : i32
      %jit3A_1286 = arith.constant 2 : i32
      %eq3A_1287 = arith.constant 0 : i32
      %eq3A_1288 = arith.cmpi eq, %jit3A_1286, %eq3A_1287 : i32
      %jit3A_1289 = arith.constant 1 : i32
      %select_n3A_1290 = arith.select %eq3A_1288, %jit3A_1289, %jit3A_1286 : i32
      %rem3A_1291 = arith.remsi %add3A_1280, %select_n3A_1290 : i32
      %ne3A_1292 = arith.constant 0 : i32
      %ne3A_1293 = arith.cmpi ne, %rem3A_1291, %ne3A_1292 : i32
      %lt3A_1294 = arith.constant 0 : i32
      %lt3A_1295 = arith.cmpi slt, %rem3A_1291, %lt3A_1294 : i32
      %lt3A_1296 = arith.constant 0 : i32
      %lt3A_1297 = arith.cmpi slt, %select_n3A_1290, %lt3A_1296 : i32
      %ne3A_1298 = arith.xori %lt3A_1295, %lt3A_1297 : i1
      %and3A_1299 = arith.andi %ne3A_1298, %ne3A_1293 : i1
      %add3A_1300 = arith.addi %rem3A_1291, %select_n3A_1290 : i32
      %select_n3A_1301 = arith.select %and3A_1299, %add3A_1300, %rem3A_1291 : i32
      %dma_start3A_1302 = arith.constant 0 : i32
      %dma_start3A_1303 = arith.constant 0 : i32
      %dma_start3A_1304 = tpu.memref_slice %arg6[%select_n3A_1301, %dma_start3A_1302, %dma_start3A_1303] : memref<2x9x128xi32, #tpu.memory_space<vmem>> -> memref<1x9x128xi32, #tpu.memory_space<vmem>>
      %dma_start3A_1305 = tpu.memref_squeeze %dma_start3A_1304 : memref<1x9x128xi32, #tpu.memory_space<vmem>> -> memref<9x128xi32, #tpu.memory_space<vmem>>
      %dma_start3A_1306 = arith.constant 0 : i32
      %dma_start3A_1307 = arith.constant 0 : i32
      %dma_start3A_1308 = tpu.memref_slice %arg2[%min3A_1285, %dma_start3A_1306, %dma_start3A_1307] : memref<1024x9x128xi32, #tpu.memory_space<hbm>> -> memref<1x9x128xi32, #tpu.memory_space<hbm>>
      %dma_start3A_1309 = tpu.memref_squeeze %dma_start3A_1308 : memref<1x9x128xi32, #tpu.memory_space<hbm>> -> memref<9x128xi32, #tpu.memory_space<hbm>>
      %dma_start3A_1310 = arith.constant 0 : i32
      %dma_start3A_1311 = arith.constant 0 : i32
      %dma_start3A_1312 = tpu.memref_slice %arg6[%select_n3A_1301, %dma_start3A_1310, %dma_start3A_1311] : memref<2x9x128xi32, #tpu.memory_space<vmem>> -> memref<1x9x128xi32, #tpu.memory_space<vmem>>
      %dma_start3A_1313 = tpu.memref_squeeze %dma_start3A_1312 : memref<1x9x128xi32, #tpu.memory_space<vmem>> -> memref<9x128xi32, #tpu.memory_space<vmem>>
      %dma_start3A_1314 = arith.constant 0 : i32
      %dma_start3A_1315 = arith.constant 0 : i32
      %dma_start3A_1316 = tpu.memref_slice %arg2[%min3A_1285, %dma_start3A_1314, %dma_start3A_1315] : memref<1024x9x128xi32, #tpu.memory_space<hbm>> -> memref<1x9x128xi32, #tpu.memory_space<hbm>>
      %dma_start3A_1317 = tpu.memref_squeeze %dma_start3A_1316 : memref<1x9x128xi32, #tpu.memory_space<hbm>> -> memref<9x128xi32, #tpu.memory_space<hbm>>
      tpu.enqueue_dma source(%dma_start3A_1317 : memref<9x128xi32, #tpu.memory_space<hbm>>) target(%dma_start3A_1313 : memref<9x128xi32, #tpu.memory_space<vmem>>) target_semaphore(%arg11 : memref<!tpu.dma_semaphore, #tpu.memory_space<semaphore_mem>>)
      %dma_wait3A_1318 = arith.constant 0 : i32
      %dma_wait3A_1319 = arith.constant 0 : i32
      %dma_wait3A_1320 = arith.constant 0 : i32
      %dma_wait3A_1321 = arith.constant 0 : i32
      %dma_wait3A_1322 = tpu.memref_slice %arg8[%dma_wait3A_1319, %dma_wait3A_1320, %dma_wait3A_1321] : memref<5x128x128xf32, #tpu.memory_space<vmem>> -> memref<1x128x128xf32, #tpu.memory_space<vmem>>
      %dma_wait3A_1323 = tpu.memref_squeeze %dma_wait3A_1322 : memref<1x128x128xf32, #tpu.memory_space<vmem>> -> memref<128x128xf32, #tpu.memory_space<vmem>>
      %dma_wait3A_1324 = arith.constant 0 : i32
      %dma_wait3A_1325 = tpu.memref_slice %arg7[%dma_wait3A_1318, %dma_wait3A_1324] : memref<5x128xi32, #tpu.memory_space<vmem>> -> memref<1x128xi32, #tpu.memory_space<vmem>>
      %dma_wait3A_1326 = tpu.memref_squeeze %dma_wait3A_1325 : memref<1x128xi32, #tpu.memory_space<vmem>> -> memref<128xi32, #tpu.memory_space<vmem>>
      %dma_wait3A_1327 = arith.constant 0 : i32
      %dma_wait3A_1328 = arith.constant 0 : i32
      %dma_wait3A_1329 = tpu.memref_slice %arg3[%dma_wait3A_1327, %dma_wait3A_1328] : memref<40000x128xf32, #tpu.memory_space<hbm>> -> memref<40000x128xf32, #tpu.memory_space<hbm>>
      tpu.wait_indirect_dma semaphore(%arg13 : memref<!tpu.dma_semaphore, #tpu.memory_space<semaphore_mem>>) src(%dma_wait3A_1329 : memref<40000x128xf32, #tpu.memory_space<hbm>>) dst(%dma_wait3A_1323 : memref<128x128xf32, #tpu.memory_space<vmem>>)
      %dma_start3A_1330 = arith.constant 0 : i32
      %dma_start3A_1331 = arith.constant 0 : i32
      %dma_start3A_1332 = arith.constant 0 : i32
      %dma_start3A_1333 = tpu.memref_slice %arg8[%dma_start3A_1330, %dma_start3A_1331, %dma_start3A_1332] : memref<5x128x128xf32, #tpu.memory_space<vmem>> -> memref<1x128x128xf32, #tpu.memory_space<vmem>>
      %dma_start3A_1334 = tpu.memref_squeeze %dma_start3A_1333 : memref<1x128x128xf32, #tpu.memory_space<vmem>> -> memref<128x128xf32, #tpu.memory_space<vmem>>
      %dma_start3A_1335 = arith.constant 0 : i32
      %dma_start3A_1336 = tpu.memref_slice %arg9[%select_n3A_304, %dma_start3A_1335] : memref<2x128xi32, #tpu.memory_space<vmem>> -> memref<1x128xi32, #tpu.memory_space<vmem>>
      %dma_start3A_1337 = tpu.memref_squeeze %dma_start3A_1336 : memref<1x128xi32, #tpu.memory_space<vmem>> -> memref<128xi32, #tpu.memory_space<vmem>>
      %dma_start3A_1338 = arith.constant 0 : i32
      %dma_start3A_1339 = arith.constant 0 : i32
      %dma_start3A_1340 = tpu.memref_slice %arg10[%dma_start3A_1338, %dma_start3A_1339] : memref<4096x128xf32, #tpu.memory_space<vmem_shared>> -> memref<4096x128xf32, #tpu.memory_space<vmem_shared>>
      tpu.enqueue_indirect_dma source(%dma_start3A_1334 : memref<128x128xf32, #tpu.memory_space<vmem>>) target(%dma_start3A_1340 : memref<4096x128xf32, #tpu.memory_space<vmem_shared>>) offsets(%dma_start3A_1337 : memref<128xi32, #tpu.memory_space<vmem>>) semaphore(%arg18 : memref<!tpu.dma_semaphore, #tpu.memory_space<semaphore_mem>>)
      %dma_wait3A_1341 = arith.constant 0 : i32
      %dma_wait3A_1342 = arith.constant 0 : i32
      %dma_wait3A_1343 = arith.constant 0 : i32
      %dma_wait3A_1344 = tpu.memref_slice %arg8[%dma_wait3A_1341, %dma_wait3A_1342, %dma_wait3A_1343] : memref<5x128x128xf32, #tpu.memory_space<vmem>> -> memref<1x128x128xf32, #tpu.memory_space<vmem>>
      %dma_wait3A_1345 = tpu.memref_squeeze %dma_wait3A_1344 : memref<1x128x128xf32, #tpu.memory_space<vmem>> -> memref<128x128xf32, #tpu.memory_space<vmem>>
      %dma_wait3A_1346 = arith.constant 0 : i32
      %dma_wait3A_1347 = tpu.memref_slice %arg9[%select_n3A_304, %dma_wait3A_1346] : memref<2x128xi32, #tpu.memory_space<vmem>> -> memref<1x128xi32, #tpu.memory_space<vmem>>
      %dma_wait3A_1348 = tpu.memref_squeeze %dma_wait3A_1347 : memref<1x128xi32, #tpu.memory_space<vmem>> -> memref<128xi32, #tpu.memory_space<vmem>>
      %dma_wait3A_1349 = arith.constant 0 : i32
      %dma_wait3A_1350 = arith.constant 0 : i32
      %dma_wait3A_1351 = tpu.memref_slice %arg10[%dma_wait3A_1349, %dma_wait3A_1350] : memref<4096x128xf32, #tpu.memory_space<vmem_shared>> -> memref<4096x128xf32, #tpu.memory_space<vmem_shared>>
      tpu.wait_indirect_dma semaphore(%arg18 : memref<!tpu.dma_semaphore, #tpu.memory_space<semaphore_mem>>) src(%dma_wait3A_1345 : memref<128x128xf32, #tpu.memory_space<vmem>>) dst(%dma_wait3A_1351 : memref<4096x128xf32, #tpu.memory_space<vmem_shared>>)
      %dma_wait3A_1352 = arith.constant 1 : i32
      %dma_wait3A_1353 = arith.constant 1 : i32
      %dma_wait3A_1354 = arith.constant 0 : i32
      %dma_wait3A_1355 = arith.constant 0 : i32
      %dma_wait3A_1356 = tpu.memref_slice %arg8[%dma_wait3A_1353, %dma_wait3A_1354, %dma_wait3A_1355] : memref<5x128x128xf32, #tpu.memory_space<vmem>> -> memref<1x128x128xf32, #tpu.memory_space<vmem>>
      %dma_wait3A_1357 = tpu.memref_squeeze %dma_wait3A_1356 : memref<1x128x128xf32, #tpu.memory_space<vmem>> -> memref<128x128xf32, #tpu.memory_space<vmem>>
      %dma_wait3A_1358 = arith.constant 0 : i32
      %dma_wait3A_1359 = tpu.memref_slice %arg7[%dma_wait3A_1352, %dma_wait3A_1358] : memref<5x128xi32, #tpu.memory_space<vmem>> -> memref<1x128xi32, #tpu.memory_space<vmem>>
      %dma_wait3A_1360 = tpu.memref_squeeze %dma_wait3A_1359 : memref<1x128xi32, #tpu.memory_space<vmem>> -> memref<128xi32, #tpu.memory_space<vmem>>
      %dma_wait3A_1361 = arith.constant 0 : i32
      %dma_wait3A_1362 = arith.constant 0 : i32
      %dma_wait3A_1363 = tpu.memref_slice %arg3[%dma_wait3A_1361, %dma_wait3A_1362] : memref<40000x128xf32, #tpu.memory_space<hbm>> -> memref<40000x128xf32, #tpu.memory_space<hbm>>
      tpu.wait_indirect_dma semaphore(%arg14 : memref<!tpu.dma_semaphore, #tpu.memory_space<semaphore_mem>>) src(%dma_wait3A_1363 : memref<40000x128xf32, #tpu.memory_space<hbm>>) dst(%dma_wait3A_1357 : memref<128x128xf32, #tpu.memory_space<vmem>>)
      %dma_start3A_1364 = arith.constant 1 : i32
      %dma_start3A_1365 = arith.constant 0 : i32
      %dma_start3A_1366 = arith.constant 0 : i32
      %dma_start3A_1367 = tpu.memref_slice %arg8[%dma_start3A_1364, %dma_start3A_1365, %dma_start3A_1366] : memref<5x128x128xf32, #tpu.memory_space<vmem>> -> memref<1x128x128xf32, #tpu.memory_space<vmem>>
      %dma_start3A_1368 = tpu.memref_squeeze %dma_start3A_1367 : memref<1x128x128xf32, #tpu.memory_space<vmem>> -> memref<128x128xf32, #tpu.memory_space<vmem>>
      %dma_start3A_1369 = arith.constant 0 : i32
      %dma_start3A_1370 = tpu.memref_slice %arg9[%select_n3A_304, %dma_start3A_1369] : memref<2x128xi32, #tpu.memory_space<vmem>> -> memref<1x128xi32, #tpu.memory_space<vmem>>
      %dma_start3A_1371 = tpu.memref_squeeze %dma_start3A_1370 : memref<1x128xi32, #tpu.memory_space<vmem>> -> memref<128xi32, #tpu.memory_space<vmem>>
      %dma_start3A_1372 = arith.constant 0 : i32
      %dma_start3A_1373 = arith.constant 0 : i32
      %dma_start3A_1374 = tpu.memref_slice %arg10[%dma_start3A_1372, %dma_start3A_1373] : memref<4096x128xf32, #tpu.memory_space<vmem_shared>> -> memref<4096x128xf32, #tpu.memory_space<vmem_shared>>
      tpu.enqueue_indirect_dma source(%dma_start3A_1368 : memref<128x128xf32, #tpu.memory_space<vmem>>) target(%dma_start3A_1374 : memref<4096x128xf32, #tpu.memory_space<vmem_shared>>) offsets(%dma_start3A_1371 : memref<128xi32, #tpu.memory_space<vmem>>) semaphore(%arg19 : memref<!tpu.dma_semaphore, #tpu.memory_space<semaphore_mem>>) {add = true}
      %dma_wait3A_1375 = arith.constant 2 : i32
      %dma_wait3A_1376 = arith.constant 2 : i32
      %dma_wait3A_1377 = arith.constant 0 : i32
      %dma_wait3A_1378 = arith.constant 0 : i32
      %dma_wait3A_1379 = tpu.memref_slice %arg8[%dma_wait3A_1376, %dma_wait3A_1377, %dma_wait3A_1378] : memref<5x128x128xf32, #tpu.memory_space<vmem>> -> memref<1x128x128xf32, #tpu.memory_space<vmem>>
      %dma_wait3A_1380 = tpu.memref_squeeze %dma_wait3A_1379 : memref<1x128x128xf32, #tpu.memory_space<vmem>> -> memref<128x128xf32, #tpu.memory_space<vmem>>
      %dma_wait3A_1381 = arith.constant 0 : i32
      %dma_wait3A_1382 = tpu.memref_slice %arg7[%dma_wait3A_1375, %dma_wait3A_1381] : memref<5x128xi32, #tpu.memory_space<vmem>> -> memref<1x128xi32, #tpu.memory_space<vmem>>
      %dma_wait3A_1383 = tpu.memref_squeeze %dma_wait3A_1382 : memref<1x128xi32, #tpu.memory_space<vmem>> -> memref<128xi32, #tpu.memory_space<vmem>>
      %dma_wait3A_1384 = arith.constant 0 : i32
      %dma_wait3A_1385 = arith.constant 0 : i32
      %dma_wait3A_1386 = tpu.memref_slice %arg3[%dma_wait3A_1384, %dma_wait3A_1385] : memref<40000x128xf32, #tpu.memory_space<hbm>> -> memref<40000x128xf32, #tpu.memory_space<hbm>>
      tpu.wait_indirect_dma semaphore(%arg15 : memref<!tpu.dma_semaphore, #tpu.memory_space<semaphore_mem>>) src(%dma_wait3A_1386 : memref<40000x128xf32, #tpu.memory_space<hbm>>) dst(%dma_wait3A_1380 : memref<128x128xf32, #tpu.memory_space<vmem>>)
      %dma_start3A_1387 = arith.constant 2 : i32
      %dma_start3A_1388 = arith.constant 0 : i32
      %dma_start3A_1389 = arith.constant 0 : i32
      %dma_start3A_1390 = tpu.memref_slice %arg8[%dma_start3A_1387, %dma_start3A_1388, %dma_start3A_1389] : memref<5x128x128xf32, #tpu.memory_space<vmem>> -> memref<1x128x128xf32, #tpu.memory_space<vmem>>
      %dma_start3A_1391 = tpu.memref_squeeze %dma_start3A_1390 : memref<1x128x128xf32, #tpu.memory_space<vmem>> -> memref<128x128xf32, #tpu.memory_space<vmem>>
      %dma_start3A_1392 = arith.constant 0 : i32
      %dma_start3A_1393 = tpu.memref_slice %arg9[%select_n3A_304, %dma_start3A_1392] : memref<2x128xi32, #tpu.memory_space<vmem>> -> memref<1x128xi32, #tpu.memory_space<vmem>>
      %dma_start3A_1394 = tpu.memref_squeeze %dma_start3A_1393 : memref<1x128xi32, #tpu.memory_space<vmem>> -> memref<128xi32, #tpu.memory_space<vmem>>
      %dma_start3A_1395 = arith.constant 0 : i32
      %dma_start3A_1396 = arith.constant 0 : i32
      %dma_start3A_1397 = tpu.memref_slice %arg10[%dma_start3A_1395, %dma_start3A_1396] : memref<4096x128xf32, #tpu.memory_space<vmem_shared>> -> memref<4096x128xf32, #tpu.memory_space<vmem_shared>>
      tpu.enqueue_indirect_dma source(%dma_start3A_1391 : memref<128x128xf32, #tpu.memory_space<vmem>>) target(%dma_start3A_1397 : memref<4096x128xf32, #tpu.memory_space<vmem_shared>>) offsets(%dma_start3A_1394 : memref<128xi32, #tpu.memory_space<vmem>>) semaphore(%arg20 : memref<!tpu.dma_semaphore, #tpu.memory_space<semaphore_mem>>) {add = true}
      %dma_wait3A_1398 = arith.constant 3 : i32
      %dma_wait3A_1399 = arith.constant 3 : i32
      %dma_wait3A_1400 = arith.constant 0 : i32
      %dma_wait3A_1401 = arith.constant 0 : i32
      %dma_wait3A_1402 = tpu.memref_slice %arg8[%dma_wait3A_1399, %dma_wait3A_1400, %dma_wait3A_1401] : memref<5x128x128xf32, #tpu.memory_space<vmem>> -> memref<1x128x128xf32, #tpu.memory_space<vmem>>
      %dma_wait3A_1403 = tpu.memref_squeeze %dma_wait3A_1402 : memref<1x128x128xf32, #tpu.memory_space<vmem>> -> memref<128x128xf32, #tpu.memory_space<vmem>>
      %dma_wait3A_1404 = arith.constant 0 : i32
      %dma_wait3A_1405 = tpu.memref_slice %arg7[%dma_wait3A_1398, %dma_wait3A_1404] : memref<5x128xi32, #tpu.memory_space<vmem>> -> memref<1x128xi32, #tpu.memory_space<vmem>>
      %dma_wait3A_1406 = tpu.memref_squeeze %dma_wait3A_1405 : memref<1x128xi32, #tpu.memory_space<vmem>> -> memref<128xi32, #tpu.memory_space<vmem>>
      %dma_wait3A_1407 = arith.constant 0 : i32
      %dma_wait3A_1408 = arith.constant 0 : i32
      %dma_wait3A_1409 = tpu.memref_slice %arg3[%dma_wait3A_1407, %dma_wait3A_1408] : memref<40000x128xf32, #tpu.memory_space<hbm>> -> memref<40000x128xf32, #tpu.memory_space<hbm>>
      tpu.wait_indirect_dma semaphore(%arg16 : memref<!tpu.dma_semaphore, #tpu.memory_space<semaphore_mem>>) src(%dma_wait3A_1409 : memref<40000x128xf32, #tpu.memory_space<hbm>>) dst(%dma_wait3A_1403 : memref<128x128xf32, #tpu.memory_space<vmem>>)
      %dma_start3A_1410 = arith.constant 3 : i32
      %dma_start3A_1411 = arith.constant 0 : i32
      %dma_start3A_1412 = arith.constant 0 : i32
      %dma_start3A_1413 = tpu.memref_slice %arg8[%dma_start3A_1410, %dma_start3A_1411, %dma_start3A_1412] : memref<5x128x128xf32, #tpu.memory_space<vmem>> -> memref<1x128x128xf32, #tpu.memory_space<vmem>>
      %dma_start3A_1414 = tpu.memref_squeeze %dma_start3A_1413 : memref<1x128x128xf32, #tpu.memory_space<vmem>> -> memref<128x128xf32, #tpu.memory_space<vmem>>
      %dma_start3A_1415 = arith.constant 0 : i32
      %dma_start3A_1416 = tpu.memref_slice %arg9[%select_n3A_304, %dma_start3A_1415] : memref<2x128xi32, #tpu.memory_space<vmem>> -> memref<1x128xi32, #tpu.memory_space<vmem>>
      %dma_start3A_1417 = tpu.memref_squeeze %dma_start3A_1416 : memref<1x128xi32, #tpu.memory_space<vmem>> -> memref<128xi32, #tpu.memory_space<vmem>>
      %dma_start3A_1418 = arith.constant 0 : i32
      %dma_start3A_1419 = arith.constant 0 : i32
      %dma_start3A_1420 = tpu.memref_slice %arg10[%dma_start3A_1418, %dma_start3A_1419] : memref<4096x128xf32, #tpu.memory_space<vmem_shared>> -> memref<4096x128xf32, #tpu.memory_space<vmem_shared>>
      tpu.enqueue_indirect_dma source(%dma_start3A_1414 : memref<128x128xf32, #tpu.memory_space<vmem>>) target(%dma_start3A_1420 : memref<4096x128xf32, #tpu.memory_space<vmem_shared>>) offsets(%dma_start3A_1417 : memref<128xi32, #tpu.memory_space<vmem>>) semaphore(%arg21 : memref<!tpu.dma_semaphore, #tpu.memory_space<semaphore_mem>>) {add = true}
      %dma_wait3A_1421 = arith.constant 4 : i32
      %dma_wait3A_1422 = arith.constant 4 : i32
      %dma_wait3A_1423 = arith.constant 0 : i32
      %dma_wait3A_1424 = arith.constant 0 : i32
      %dma_wait3A_1425 = tpu.memref_slice %arg8[%dma_wait3A_1422, %dma_wait3A_1423, %dma_wait3A_1424] : memref<5x128x128xf32, #tpu.memory_space<vmem>> -> memref<1x128x128xf32, #tpu.memory_space<vmem>>
      %dma_wait3A_1426 = tpu.memref_squeeze %dma_wait3A_1425 : memref<1x128x128xf32, #tpu.memory_space<vmem>> -> memref<128x128xf32, #tpu.memory_space<vmem>>
      %dma_wait3A_1427 = arith.constant 0 : i32
      %dma_wait3A_1428 = tpu.memref_slice %arg7[%dma_wait3A_1421, %dma_wait3A_1427] : memref<5x128xi32, #tpu.memory_space<vmem>> -> memref<1x128xi32, #tpu.memory_space<vmem>>
      %dma_wait3A_1429 = tpu.memref_squeeze %dma_wait3A_1428 : memref<1x128xi32, #tpu.memory_space<vmem>> -> memref<128xi32, #tpu.memory_space<vmem>>
      %dma_wait3A_1430 = arith.constant 0 : i32
      %dma_wait3A_1431 = arith.constant 0 : i32
      %dma_wait3A_1432 = tpu.memref_slice %arg4[%dma_wait3A_1430, %dma_wait3A_1431] : memref<100x128xf32, #tpu.memory_space<hbm>> -> memref<100x128xf32, #tpu.memory_space<hbm>>
      tpu.wait_indirect_dma semaphore(%arg17 : memref<!tpu.dma_semaphore, #tpu.memory_space<semaphore_mem>>) src(%dma_wait3A_1432 : memref<100x128xf32, #tpu.memory_space<hbm>>) dst(%dma_wait3A_1426 : memref<128x128xf32, #tpu.memory_space<vmem>>)
      %dma_start3A_1433 = arith.constant 4 : i32
      %dma_start3A_1434 = arith.constant 0 : i32
      %dma_start3A_1435 = arith.constant 0 : i32
      %dma_start3A_1436 = tpu.memref_slice %arg8[%dma_start3A_1433, %dma_start3A_1434, %dma_start3A_1435] : memref<5x128x128xf32, #tpu.memory_space<vmem>> -> memref<1x128x128xf32, #tpu.memory_space<vmem>>
      %dma_start3A_1437 = tpu.memref_squeeze %dma_start3A_1436 : memref<1x128x128xf32, #tpu.memory_space<vmem>> -> memref<128x128xf32, #tpu.memory_space<vmem>>
      %dma_start3A_1438 = arith.constant 0 : i32
      %dma_start3A_1439 = tpu.memref_slice %arg9[%select_n3A_304, %dma_start3A_1438] : memref<2x128xi32, #tpu.memory_space<vmem>> -> memref<1x128xi32, #tpu.memory_space<vmem>>
      %dma_start3A_1440 = tpu.memref_squeeze %dma_start3A_1439 : memref<1x128xi32, #tpu.memory_space<vmem>> -> memref<128xi32, #tpu.memory_space<vmem>>
      %dma_start3A_1441 = arith.constant 0 : i32
      %dma_start3A_1442 = arith.constant 0 : i32
      %dma_start3A_1443 = tpu.memref_slice %arg10[%dma_start3A_1441, %dma_start3A_1442] : memref<4096x128xf32, #tpu.memory_space<vmem_shared>> -> memref<4096x128xf32, #tpu.memory_space<vmem_shared>>
      tpu.enqueue_indirect_dma source(%dma_start3A_1437 : memref<128x128xf32, #tpu.memory_space<vmem>>) target(%dma_start3A_1443 : memref<4096x128xf32, #tpu.memory_space<vmem_shared>>) offsets(%dma_start3A_1440 : memref<128xi32, #tpu.memory_space<vmem>>) semaphore(%arg22 : memref<!tpu.dma_semaphore, #tpu.memory_space<semaphore_mem>>) {add = true}
      %dma_wait3A_1444 = arith.constant 1 : i32
      %dma_wait3A_1445 = arith.constant 0 : i32
      %dma_wait3A_1446 = arith.constant 0 : i32
      %dma_wait3A_1447 = tpu.memref_slice %arg8[%dma_wait3A_1444, %dma_wait3A_1445, %dma_wait3A_1446] : memref<5x128x128xf32, #tpu.memory_space<vmem>> -> memref<1x128x128xf32, #tpu.memory_space<vmem>>
      %dma_wait3A_1448 = tpu.memref_squeeze %dma_wait3A_1447 : memref<1x128x128xf32, #tpu.memory_space<vmem>> -> memref<128x128xf32, #tpu.memory_space<vmem>>
      %dma_wait3A_1449 = arith.constant 0 : i32
      %dma_wait3A_1450 = tpu.memref_slice %arg9[%select_n3A_304, %dma_wait3A_1449] : memref<2x128xi32, #tpu.memory_space<vmem>> -> memref<1x128xi32, #tpu.memory_space<vmem>>
      %dma_wait3A_1451 = tpu.memref_squeeze %dma_wait3A_1450 : memref<1x128xi32, #tpu.memory_space<vmem>> -> memref<128xi32, #tpu.memory_space<vmem>>
      %dma_wait3A_1452 = arith.constant 0 : i32
      %dma_wait3A_1453 = arith.constant 0 : i32
      %dma_wait3A_1454 = tpu.memref_slice %arg10[%dma_wait3A_1452, %dma_wait3A_1453] : memref<4096x128xf32, #tpu.memory_space<vmem_shared>> -> memref<4096x128xf32, #tpu.memory_space<vmem_shared>>
      tpu.wait_indirect_dma semaphore(%arg19 : memref<!tpu.dma_semaphore, #tpu.memory_space<semaphore_mem>>) src(%dma_wait3A_1448 : memref<128x128xf32, #tpu.memory_space<vmem>>) dst(%dma_wait3A_1454 : memref<4096x128xf32, #tpu.memory_space<vmem_shared>>)
      %dma_wait3A_1455 = arith.constant 2 : i32
      %dma_wait3A_1456 = arith.constant 0 : i32
      %dma_wait3A_1457 = arith.constant 0 : i32
      %dma_wait3A_1458 = tpu.memref_slice %arg8[%dma_wait3A_1455, %dma_wait3A_1456, %dma_wait3A_1457] : memref<5x128x128xf32, #tpu.memory_space<vmem>> -> memref<1x128x128xf32, #tpu.memory_space<vmem>>
      %dma_wait3A_1459 = tpu.memref_squeeze %dma_wait3A_1458 : memref<1x128x128xf32, #tpu.memory_space<vmem>> -> memref<128x128xf32, #tpu.memory_space<vmem>>
      %dma_wait3A_1460 = arith.constant 0 : i32
      %dma_wait3A_1461 = tpu.memref_slice %arg9[%select_n3A_304, %dma_wait3A_1460] : memref<2x128xi32, #tpu.memory_space<vmem>> -> memref<1x128xi32, #tpu.memory_space<vmem>>
      %dma_wait3A_1462 = tpu.memref_squeeze %dma_wait3A_1461 : memref<1x128xi32, #tpu.memory_space<vmem>> -> memref<128xi32, #tpu.memory_space<vmem>>
      %dma_wait3A_1463 = arith.constant 0 : i32
      %dma_wait3A_1464 = arith.constant 0 : i32
      %dma_wait3A_1465 = tpu.memref_slice %arg10[%dma_wait3A_1463, %dma_wait3A_1464] : memref<4096x128xf32, #tpu.memory_space<vmem_shared>> -> memref<4096x128xf32, #tpu.memory_space<vmem_shared>>
      tpu.wait_indirect_dma semaphore(%arg20 : memref<!tpu.dma_semaphore, #tpu.memory_space<semaphore_mem>>) src(%dma_wait3A_1459 : memref<128x128xf32, #tpu.memory_space<vmem>>) dst(%dma_wait3A_1465 : memref<4096x128xf32, #tpu.memory_space<vmem_shared>>)
      %dma_wait3A_1466 = arith.constant 3 : i32
      %dma_wait3A_1467 = arith.constant 0 : i32
      %dma_wait3A_1468 = arith.constant 0 : i32
      %dma_wait3A_1469 = tpu.memref_slice %arg8[%dma_wait3A_1466, %dma_wait3A_1467, %dma_wait3A_1468] : memref<5x128x128xf32, #tpu.memory_space<vmem>> -> memref<1x128x128xf32, #tpu.memory_space<vmem>>
      %dma_wait3A_1470 = tpu.memref_squeeze %dma_wait3A_1469 : memref<1x128x128xf32, #tpu.memory_space<vmem>> -> memref<128x128xf32, #tpu.memory_space<vmem>>
      %dma_wait3A_1471 = arith.constant 0 : i32
      %dma_wait3A_1472 = tpu.memref_slice %arg9[%select_n3A_304, %dma_wait3A_1471] : memref<2x128xi32, #tpu.memory_space<vmem>> -> memref<1x128xi32, #tpu.memory_space<vmem>>
      %dma_wait3A_1473 = tpu.memref_squeeze %dma_wait3A_1472 : memref<1x128xi32, #tpu.memory_space<vmem>> -> memref<128xi32, #tpu.memory_space<vmem>>
      %dma_wait3A_1474 = arith.constant 0 : i32
      %dma_wait3A_1475 = arith.constant 0 : i32
      %dma_wait3A_1476 = tpu.memref_slice %arg10[%dma_wait3A_1474, %dma_wait3A_1475] : memref<4096x128xf32, #tpu.memory_space<vmem_shared>> -> memref<4096x128xf32, #tpu.memory_space<vmem_shared>>
      tpu.wait_indirect_dma semaphore(%arg21 : memref<!tpu.dma_semaphore, #tpu.memory_space<semaphore_mem>>) src(%dma_wait3A_1470 : memref<128x128xf32, #tpu.memory_space<vmem>>) dst(%dma_wait3A_1476 : memref<4096x128xf32, #tpu.memory_space<vmem_shared>>)
      %dma_wait3A_1477 = arith.constant 4 : i32
      %dma_wait3A_1478 = arith.constant 0 : i32
      %dma_wait3A_1479 = arith.constant 0 : i32
      %dma_wait3A_1480 = tpu.memref_slice %arg8[%dma_wait3A_1477, %dma_wait3A_1478, %dma_wait3A_1479] : memref<5x128x128xf32, #tpu.memory_space<vmem>> -> memref<1x128x128xf32, #tpu.memory_space<vmem>>
      %dma_wait3A_1481 = tpu.memref_squeeze %dma_wait3A_1480 : memref<1x128x128xf32, #tpu.memory_space<vmem>> -> memref<128x128xf32, #tpu.memory_space<vmem>>
      %dma_wait3A_1482 = arith.constant 0 : i32
      %dma_wait3A_1483 = tpu.memref_slice %arg9[%select_n3A_304, %dma_wait3A_1482] : memref<2x128xi32, #tpu.memory_space<vmem>> -> memref<1x128xi32, #tpu.memory_space<vmem>>
      %dma_wait3A_1484 = tpu.memref_squeeze %dma_wait3A_1483 : memref<1x128xi32, #tpu.memory_space<vmem>> -> memref<128xi32, #tpu.memory_space<vmem>>
      %dma_wait3A_1485 = arith.constant 0 : i32
      %dma_wait3A_1486 = arith.constant 0 : i32
      %dma_wait3A_1487 = tpu.memref_slice %arg10[%dma_wait3A_1485, %dma_wait3A_1486] : memref<4096x128xf32, #tpu.memory_space<vmem_shared>> -> memref<4096x128xf32, #tpu.memory_space<vmem_shared>>
      tpu.wait_indirect_dma semaphore(%arg22 : memref<!tpu.dma_semaphore, #tpu.memory_space<semaphore_mem>>) src(%dma_wait3A_1481 : memref<128x128xf32, #tpu.memory_space<vmem>>) dst(%dma_wait3A_1487 : memref<4096x128xf32, #tpu.memory_space<vmem_shared>>)
      %mul3A_1488 = arith.constant 32 : i32
      %mul3A_1489 = arith.muli %add3A, %mul3A_1488 : i32
      %add3A_1490 = arith.addi %mul3A_1489, %scan3A_295 : i32
      %jit3A_1491 = arith.constant 2 : i32
      %eq3A_1492 = arith.constant 0 : i32
      %eq3A_1493 = arith.cmpi eq, %jit3A_1491, %eq3A_1492 : i32
      %jit3A_1494 = arith.constant 1 : i32
      %select_n3A_1495 = arith.select %eq3A_1493, %jit3A_1494, %jit3A_1491 : i32
      %rem3A_1496 = arith.remsi %scan3A_295, %select_n3A_1495 : i32
      %ne3A_1497 = arith.constant 0 : i32
      %ne3A_1498 = arith.cmpi ne, %rem3A_1496, %ne3A_1497 : i32
      %lt3A_1499 = arith.constant 0 : i32
      %lt3A_1500 = arith.cmpi slt, %rem3A_1496, %lt3A_1499 : i32
      %lt3A_1501 = arith.constant 0 : i32
      %lt3A_1502 = arith.cmpi slt, %select_n3A_1495, %lt3A_1501 : i32
      %ne3A_1503 = arith.xori %lt3A_1500, %lt3A_1502 : i1
      %and3A_1504 = arith.andi %ne3A_1503, %ne3A_1498 : i1
      %add3A_1505 = arith.addi %rem3A_1496, %select_n3A_1495 : i32
      %select_n3A_1506 = arith.select %and3A_1504, %add3A_1505, %rem3A_1496 : i32
      %mul3A_1507 = arith.constant 16 : i32
      %mul3A_1508 = arith.muli %select_n3A_1506, %mul3A_1507 : i32
      %mul3A_1509 = arith.constant 128 : i32
      %mul3A_1510 = arith.muli %mul3A_1508, %mul3A_1509 : i32
      %mul3A_1511 = arith.constant 128 : i32
      %mul3A_1512 = arith.muli %arg1, %mul3A_1511 : i32
      %add3A_1513 = arith.addi %mul3A_1510, %mul3A_1512 : i32
      %mul3A_1514 = arith.constant 128 : i32
      %mul3A_1515 = arith.muli %add3A_1490, %mul3A_1514 : i32
      %dma_start3A_1516 = arith.constant 0 : i32
      %dma_start3A_1517 = tpu.memref_slice %arg5[%mul3A_1515, %dma_start3A_1516] : memref<131072x128xf32, #tpu.memory_space<hbm>> -> memref<128x128xf32, #tpu.memory_space<hbm>>
      %dma_start3A_1518 = arith.constant 0 : i32
      %dma_start3A_1519 = tpu.memref_slice %arg10[%add3A_1513, %dma_start3A_1518] : memref<4096x128xf32, #tpu.memory_space<vmem_shared>> -> memref<128x128xf32, #tpu.memory_space<vmem_shared>>
      tpu.enqueue_dma source(%dma_start3A_1519 : memref<128x128xf32, #tpu.memory_space<vmem_shared>>) target(%dma_start3A_1517 : memref<128x128xf32, #tpu.memory_space<hbm>>) target_semaphore(%arg12 : memref<!tpu.dma_semaphore, #tpu.memory_space<semaphore_mem>>)
    }
    %scan3A_249 = arith.constant 32 : i32
    %mul3A_250 = arith.constant 32 : i32
    %mul3A_251 = arith.muli %add3A, %mul3A_250 : i32
    %add3A_252 = arith.constant 30 : i32
    %add3A_253 = arith.addi %mul3A_251, %add3A_252 : i32
    %mul3A_254 = arith.constant 128 : i32
    %mul3A_255 = arith.muli %arg1, %mul3A_254 : i32
    %add3A_256 = arith.constant 0 : i32
    %add3A_257 = arith.addi %add3A_256, %mul3A_255 : i32
    %mul3A_258 = arith.constant 128 : i32
    %mul3A_259 = arith.muli %add3A_253, %mul3A_258 : i32
    %dma_wait3A = arith.constant 0 : i32
    %dma_wait3A_260 = tpu.memref_slice %arg5[%mul3A_259, %dma_wait3A] : memref<131072x128xf32, #tpu.memory_space<hbm>> -> memref<128x128xf32, #tpu.memory_space<hbm>>
    %dma_wait3A_261 = arith.constant 0 : i32
    %dma_wait3A_262 = tpu.memref_slice %arg10[%add3A_257, %dma_wait3A_261] : memref<4096x128xf32, #tpu.memory_space<vmem_shared>> -> memref<128x128xf32, #tpu.memory_space<vmem_shared>>
    tpu.wait_dma2 semaphore(%arg12 : memref<!tpu.dma_semaphore, #tpu.memory_space<semaphore_mem>>) src(%dma_wait3A_262 : memref<128x128xf32, #tpu.memory_space<vmem_shared>>) dst(%dma_wait3A_260 : memref<128x128xf32, #tpu.memory_space<hbm>>)
    %mul3A_263 = arith.constant 32 : i32
    %mul3A_264 = arith.muli %add3A, %mul3A_263 : i32
    %add3A_265 = arith.constant 31 : i32
    %add3A_266 = arith.addi %mul3A_264, %add3A_265 : i32
    %mul3A_267 = arith.constant 128 : i32
    %mul3A_268 = arith.muli %arg1, %mul3A_267 : i32
    %add3A_269 = arith.constant 2048 : i32
    %add3A_270 = arith.addi %add3A_269, %mul3A_268 : i32
    %mul3A_271 = arith.constant 128 : i32
    %mul3A_272 = arith.muli %add3A_266, %mul3A_271 : i32
    %dma_wait3A_273 = arith.constant 0 : i32
    %dma_wait3A_274 = tpu.memref_slice %arg5[%mul3A_272, %dma_wait3A_273] : memref<131072x128xf32, #tpu.memory_space<hbm>> -> memref<128x128xf32, #tpu.memory_space<hbm>>
    %dma_wait3A_275 = arith.constant 0 : i32
    %dma_wait3A_276 = tpu.memref_slice %arg10[%add3A_270, %dma_wait3A_275] : memref<4096x128xf32, #tpu.memory_space<vmem_shared>> -> memref<128x128xf32, #tpu.memory_space<vmem_shared>>
    tpu.wait_dma2 semaphore(%arg12 : memref<!tpu.dma_semaphore, #tpu.memory_space<semaphore_mem>>) src(%dma_wait3A_276 : memref<128x128xf32, #tpu.memory_space<vmem_shared>>) dst(%dma_wait3A_274 : memref<128x128xf32, #tpu.memory_space<hbm>>)
    %dma_wait3A_277 = arith.constant 0 : i32
    %dma_wait3A_278 = arith.constant 0 : i32
    %dma_wait3A_279 = arith.constant 0 : i32
    %dma_wait3A_280 = arith.constant 0 : i32
    %dma_wait3A_281 = tpu.memref_slice %arg6[%dma_wait3A_278, %dma_wait3A_279, %dma_wait3A_280] : memref<2x9x128xi32, #tpu.memory_space<vmem>> -> memref<1x9x128xi32, #tpu.memory_space<vmem>>
    %dma_wait3A_282 = tpu.memref_squeeze %dma_wait3A_281 : memref<1x9x128xi32, #tpu.memory_space<vmem>> -> memref<9x128xi32, #tpu.memory_space<vmem>>
    %dma_wait3A_283 = arith.constant 0 : i32
    %dma_wait3A_284 = arith.constant 0 : i32
    %dma_wait3A_285 = tpu.memref_slice %arg2[%dma_wait3A_277, %dma_wait3A_283, %dma_wait3A_284] : memref<1024x9x128xi32, #tpu.memory_space<hbm>> -> memref<1x9x128xi32, #tpu.memory_space<hbm>>
    %dma_wait3A_286 = tpu.memref_squeeze %dma_wait3A_285 : memref<1x9x128xi32, #tpu.memory_space<hbm>> -> memref<9x128xi32, #tpu.memory_space<hbm>>
    %dma_wait3A_287 = arith.constant 0 : i32
    %dma_wait3A_288 = arith.constant 0 : i32
    %dma_wait3A_289 = tpu.memref_slice %arg6[%dma_wait3A_278, %dma_wait3A_287, %dma_wait3A_288] : memref<2x9x128xi32, #tpu.memory_space<vmem>> -> memref<1x9x128xi32, #tpu.memory_space<vmem>>
    %dma_wait3A_290 = tpu.memref_squeeze %dma_wait3A_289 : memref<1x9x128xi32, #tpu.memory_space<vmem>> -> memref<9x128xi32, #tpu.memory_space<vmem>>
    %dma_wait3A_291 = arith.constant 0 : i32
    %dma_wait3A_292 = arith.constant 0 : i32
    %dma_wait3A_293 = tpu.memref_slice %arg2[%dma_wait3A_277, %dma_wait3A_291, %dma_wait3A_292] : memref<1024x9x128xi32, #tpu.memory_space<hbm>> -> memref<1x9x128xi32, #tpu.memory_space<hbm>>
    %dma_wait3A_294 = tpu.memref_squeeze %dma_wait3A_293 : memref<1x9x128xi32, #tpu.memory_space<hbm>> -> memref<9x128xi32, #tpu.memory_space<hbm>>
    tpu.wait_dma2 semaphore(%arg11 : memref<!tpu.dma_semaphore, #tpu.memory_space<semaphore_mem>>) src(%dma_wait3A_294 : memref<9x128xi32, #tpu.memory_space<hbm>>) dst(%dma_wait3A_290 : memref<9x128xi32, #tpu.memory_space<vmem>>)
    return
  }
}

module attributes {stable_mosaic.version = 14 : i64} {
  func.func @_pair_body(%arg0: i32, %arg1: memref<1x100x1x128xf32, #tpu.memory_space<vmem>>, %arg2: memref<1x1x100x128xf32, #tpu.memory_space<vmem>>, %arg3: memref<1x100x100x128xf32, #tpu.memory_space<vmem>>) attributes {dimension_semantics = [#tpu.dimension_semantics<arbitrary>], iteration_bounds = array<i64: 4>, scalar_prefetch = 0 : i64, scratch_operands = 0 : i64, tpu.core_type = #tpu.core_type<tc>, window_params = [{transform_indices = @transform_0, window_bounds = array<i64: 1, 100, 1, 128>}, {transform_indices = @transform_1, window_bounds = array<i64: 1, 1, 100, 128>}, {transform_indices = @transform_2, window_bounds = array<i64: 1, 100, 100, 128>}]} {
    %get3A = arith.constant 0 : index
    %get3A_0 = arith.constant 0 : index
    %get3A_1 = arith.constant 0 : index
    %get3A_2 = arith.constant 0 : index
    %get3A_3 = vector.load %arg1[%get3A, %get3A_0, %get3A_1, %get3A_2] : memref<1x100x1x128xf32, #tpu.memory_space<vmem>>, vector<1x100x1x128xf32>
    %get3A_4 = arith.constant 0 : index
    %get3A_5 = arith.constant 0 : index
    %get3A_6 = arith.constant 0 : index
    %get3A_7 = arith.constant 0 : index
    %get3A_8 = vector.load %arg2[%get3A_4, %get3A_5, %get3A_6, %get3A_7] : memref<1x1x100x128xf32, #tpu.memory_space<vmem>>, vector<1x1x100x128xf32>
    %add3A = vector.broadcast %get3A_3 : vector<1x100x1x128xf32> to vector<1x100x100x128xf32>
    %add3A_9 = vector.broadcast %get3A_8 : vector<1x1x100x128xf32> to vector<1x100x100x128xf32>
    %add3A_10 = arith.addf %add3A, %add3A_9 : vector<1x100x100x128xf32>
    %swap3A = arith.constant 0 : index
    %swap3A_11 = arith.constant 0 : index
    %swap3A_12 = arith.constant 0 : index
    %swap3A_13 = arith.constant 0 : index
    %swap3A_14 = vector.load %arg3[%swap3A, %swap3A_11, %swap3A_12, %swap3A_13] : memref<1x100x100x128xf32, #tpu.memory_space<vmem>>, vector<1x100x100x128xf32>
    tpu.vector_store %arg3[%swap3A, %swap3A_11, %swap3A_12, %swap3A_13], %add3A_10 {strides = array<i32>} : memref<1x100x100x128xf32, #tpu.memory_space<vmem>>, vector<1x100x100x128xf32>,
    return
  }
  func.func @transform_0(%arg0: i32) -> (i32, i32, i32, i32) {
    %c0_i32 = arith.constant 0 : i32
    %c0_i32_0 = arith.constant 0 : i32
    %c0_i32_1 = arith.constant 0 : i32
    %c0_i32_2 = arith.constant 0 : i32
    return %arg0, %c0_i32, %c0_i32_0, %c0_i32_1 : i32, i32, i32, i32
  }
  func.func @transform_1(%arg0: i32) -> (i32, i32, i32, i32) {
    %c0_i32 = arith.constant 0 : i32
    %c0_i32_0 = arith.constant 0 : i32
    %c0_i32_1 = arith.constant 0 : i32
    %c0_i32_2 = arith.constant 0 : i32
    return %arg0, %c0_i32, %c0_i32_0, %c0_i32_1 : i32, i32, i32, i32
  }
  func.func @transform_2(%arg0: i32) -> (i32, i32, i32, i32) {
    %c0_i32 = arith.constant 0 : i32
    %c0_i32_0 = arith.constant 0 : i32
    %c0_i32_1 = arith.constant 0 : i32
    %c0_i32_2 = arith.constant 0 : i32
    return %arg0, %c0_i32, %c0_i32_0, %c0_i32_1 : i32, i32, i32, i32
  }
}

module attributes {stable_mosaic.version = 14 : i64} {
  func.func @_onehot_body(%arg0: i32, %arg1: memref<1024x9xi32, #tpu.memory_space<vmem>>, %arg2: memref<1152x128xbf16, #tpu.memory_space<vmem>>, %arg3: memref<1024x128xf32, #tpu.memory_space<vmem>>) attributes {dimension_semantics = [#tpu.dimension_semantics<arbitrary>], iteration_bounds = array<i64: 128>, scalar_prefetch = 0 : i64, scratch_operands = 0 : i64, tpu.core_type = #tpu.core_type<tc>, window_params = [{transform_indices = @transform_0, window_bounds = array<i64: 1024, 9>}, {pipeline_mode = #tpu.pipeline_mode<synchronous>, transform_indices = @transform_1, window_bounds = array<i64: 1152, 128>}, {transform_indices = @transform_2, window_bounds = array<i64: 1024, 128>}]} {
    %iota3A = tpu.iota {dimensions = array<i32: 1>} : vector<1x128xi32>
    %get3A = arith.constant 0 : index
    %get3A_0 = arith.constant 0 : index
    %get3A_1 = vector.load %arg1[%get3A, %get3A_0] : memref<1024x9xi32, #tpu.memory_space<vmem>>, vector<1024x1xi32>
    %get3A_2 = vector.shape_cast %get3A_1 : vector<1024x1xi32> to vector<1024xi32>
    %broadcast_in_dim3A = vector.shape_cast %get3A_2 : vector<1024xi32> to vector<1024x1xi32>
    %eq3A = vector.broadcast %broadcast_in_dim3A : vector<1024x1xi32> to vector<1024x128xi32>
    %eq3A_3 = vector.broadcast %iota3A : vector<1x128xi32> to vector<1024x128xi32>
    %eq3A_4 = arith.cmpi eq, %eq3A, %eq3A_3 : vector<1024x128xi32>
    %convert_element_type3A = arith.extui %eq3A_4 : vector<1024x128xi1> to vector<1024x128xi32>
    %convert_element_type3A_5 = arith.sitofp %convert_element_type3A : vector<1024x128xi32> to vector<1024x128xf32>
    %convert_element_type3A_6 = arith.truncf %convert_element_type3A_5 : vector<1024x128xf32> to vector<1024x128xbf16>
    %get3A_7 = arith.constant 0 : index
    %get3A_8 = arith.constant 1 : index
    %get3A_9 = vector.load %arg1[%get3A_7, %get3A_8] : memref<1024x9xi32, #tpu.memory_space<vmem>>, vector<1024x1xi32>
    %get3A_10 = vector.shape_cast %get3A_9 : vector<1024x1xi32> to vector<1024xi32>
    %broadcast_in_dim3A_11 = vector.shape_cast %get3A_10 : vector<1024xi32> to vector<1024x1xi32>
    %eq3A_12 = vector.broadcast %broadcast_in_dim3A_11 : vector<1024x1xi32> to vector<1024x128xi32>
    %eq3A_13 = vector.broadcast %iota3A : vector<1x128xi32> to vector<1024x128xi32>
    %eq3A_14 = arith.cmpi eq, %eq3A_12, %eq3A_13 : vector<1024x128xi32>
    %convert_element_type3A_15 = arith.extui %eq3A_14 : vector<1024x128xi1> to vector<1024x128xi32>
    %convert_element_type3A_16 = arith.sitofp %convert_element_type3A_15 : vector<1024x128xi32> to vector<1024x128xf32>
    %convert_element_type3A_17 = arith.truncf %convert_element_type3A_16 : vector<1024x128xf32> to vector<1024x128xbf16>
    %get3A_18 = arith.constant 0 : index
    %get3A_19 = arith.constant 2 : index
    %get3A_20 = vector.load %arg1[%get3A_18, %get3A_19] : memref<1024x9xi32, #tpu.memory_space<vmem>>, vector<1024x1xi32>
    %get3A_21 = vector.shape_cast %get3A_20 : vector<1024x1xi32> to vector<1024xi32>
    %broadcast_in_dim3A_22 = vector.shape_cast %get3A_21 : vector<1024xi32> to vector<1024x1xi32>
    %eq3A_23 = vector.broadcast %broadcast_in_dim3A_22 : vector<1024x1xi32> to vector<1024x128xi32>
    %eq3A_24 = vector.broadcast %iota3A : vector<1x128xi32> to vector<1024x128xi32>
    %eq3A_25 = arith.cmpi eq, %eq3A_23, %eq3A_24 : vector<1024x128xi32>
    %convert_element_type3A_26 = arith.extui %eq3A_25 : vector<1024x128xi1> to vector<1024x128xi32>
    %convert_element_type3A_27 = arith.sitofp %convert_element_type3A_26 : vector<1024x128xi32> to vector<1024x128xf32>
    %convert_element_type3A_28 = arith.truncf %convert_element_type3A_27 : vector<1024x128xf32> to vector<1024x128xbf16>
    %get3A_29 = arith.constant 0 : index
    %get3A_30 = arith.constant 3 : index
    %get3A_31 = vector.load %arg1[%get3A_29, %get3A_30] : memref<1024x9xi32, #tpu.memory_space<vmem>>, vector<1024x1xi32>
    %get3A_32 = vector.shape_cast %get3A_31 : vector<1024x1xi32> to vector<1024xi32>
    %broadcast_in_dim3A_33 = vector.shape_cast %get3A_32 : vector<1024xi32> to vector<1024x1xi32>
    %eq3A_34 = vector.broadcast %broadcast_in_dim3A_33 : vector<1024x1xi32> to vector<1024x128xi32>
    %eq3A_35 = vector.broadcast %iota3A : vector<1x128xi32> to vector<1024x128xi32>
    %eq3A_36 = arith.cmpi eq, %eq3A_34, %eq3A_35 : vector<1024x128xi32>
    %convert_element_type3A_37 = arith.extui %eq3A_36 : vector<1024x128xi1> to vector<1024x128xi32>
    %convert_element_type3A_38 = arith.sitofp %convert_element_type3A_37 : vector<1024x128xi32> to vector<1024x128xf32>
    %convert_element_type3A_39 = arith.truncf %convert_element_type3A_38 : vector<1024x128xf32> to vector<1024x128xbf16>
    %get3A_40 = arith.constant 0 : index
    %get3A_41 = arith.constant 4 : index
    %get3A_42 = vector.load %arg1[%get3A_40, %get3A_41] : memref<1024x9xi32, #tpu.memory_space<vmem>>, vector<1024x1xi32>
    %get3A_43 = vector.shape_cast %get3A_42 : vector<1024x1xi32> to vector<1024xi32>
    %broadcast_in_dim3A_44 = vector.shape_cast %get3A_43 : vector<1024xi32> to vector<1024x1xi32>
    %eq3A_45 = vector.broadcast %broadcast_in_dim3A_44 : vector<1024x1xi32> to vector<1024x128xi32>
    %eq3A_46 = vector.broadcast %iota3A : vector<1x128xi32> to vector<1024x128xi32>
    %eq3A_47 = arith.cmpi eq, %eq3A_45, %eq3A_46 : vector<1024x128xi32>
    %convert_element_type3A_48 = arith.extui %eq3A_47 : vector<1024x128xi1> to vector<1024x128xi32>
    %convert_element_type3A_49 = arith.sitofp %convert_element_type3A_48 : vector<1024x128xi32> to vector<1024x128xf32>
    %convert_element_type3A_50 = arith.truncf %convert_element_type3A_49 : vector<1024x128xf32> to vector<1024x128xbf16>
    %get3A_51 = arith.constant 0 : index
    %get3A_52 = arith.constant 5 : index
    %get3A_53 = vector.load %arg1[%get3A_51, %get3A_52] : memref<1024x9xi32, #tpu.memory_space<vmem>>, vector<1024x1xi32>
    %get3A_54 = vector.shape_cast %get3A_53 : vector<1024x1xi32> to vector<1024xi32>
    %broadcast_in_dim3A_55 = vector.shape_cast %get3A_54 : vector<1024xi32> to vector<1024x1xi32>
    %eq3A_56 = vector.broadcast %broadcast_in_dim3A_55 : vector<1024x1xi32> to vector<1024x128xi32>
    %eq3A_57 = vector.broadcast %iota3A : vector<1x128xi32> to vector<1024x128xi32>
    %eq3A_58 = arith.cmpi eq, %eq3A_56, %eq3A_57 : vector<1024x128xi32>
    %convert_element_type3A_59 = arith.extui %eq3A_58 : vector<1024x128xi1> to vector<1024x128xi32>
    %convert_element_type3A_60 = arith.sitofp %convert_element_type3A_59 : vector<1024x128xi32> to vector<1024x128xf32>
    %convert_element_type3A_61 = arith.truncf %convert_element_type3A_60 : vector<1024x128xf32> to vector<1024x128xbf16>
    %get3A_62 = arith.constant 0 : index
    %get3A_63 = arith.constant 6 : index
    %get3A_64 = vector.load %arg1[%get3A_62, %get3A_63] : memref<1024x9xi32, #tpu.memory_space<vmem>>, vector<1024x1xi32>
    %get3A_65 = vector.shape_cast %get3A_64 : vector<1024x1xi32> to vector<1024xi32>
    %broadcast_in_dim3A_66 = vector.shape_cast %get3A_65 : vector<1024xi32> to vector<1024x1xi32>
    %eq3A_67 = vector.broadcast %broadcast_in_dim3A_66 : vector<1024x1xi32> to vector<1024x128xi32>
    %eq3A_68 = vector.broadcast %iota3A : vector<1x128xi32> to vector<1024x128xi32>
    %eq3A_69 = arith.cmpi eq, %eq3A_67, %eq3A_68 : vector<1024x128xi32>
    %convert_element_type3A_70 = arith.extui %eq3A_69 : vector<1024x128xi1> to vector<1024x128xi32>
    %convert_element_type3A_71 = arith.sitofp %convert_element_type3A_70 : vector<1024x128xi32> to vector<1024x128xf32>
    %convert_element_type3A_72 = arith.truncf %convert_element_type3A_71 : vector<1024x128xf32> to vector<1024x128xbf16>
    %get3A_73 = arith.constant 0 : index
    %get3A_74 = arith.constant 7 : index
    %get3A_75 = vector.load %arg1[%get3A_73, %get3A_74] : memref<1024x9xi32, #tpu.memory_space<vmem>>, vector<1024x1xi32>
    %get3A_76 = vector.shape_cast %get3A_75 : vector<1024x1xi32> to vector<1024xi32>
    %broadcast_in_dim3A_77 = vector.shape_cast %get3A_76 : vector<1024xi32> to vector<1024x1xi32>
    %eq3A_78 = vector.broadcast %broadcast_in_dim3A_77 : vector<1024x1xi32> to vector<1024x128xi32>
    %eq3A_79 = vector.broadcast %iota3A : vector<1x128xi32> to vector<1024x128xi32>
    %eq3A_80 = arith.cmpi eq, %eq3A_78, %eq3A_79 : vector<1024x128xi32>
    %convert_element_type3A_81 = arith.extui %eq3A_80 : vector<1024x128xi1> to vector<1024x128xi32>
    %convert_element_type3A_82 = arith.sitofp %convert_element_type3A_81 : vector<1024x128xi32> to vector<1024x128xf32>
    %convert_element_type3A_83 = arith.truncf %convert_element_type3A_82 : vector<1024x128xf32> to vector<1024x128xbf16>
    %get3A_84 = arith.constant 0 : index
    %get3A_85 = arith.constant 8 : index
    %get3A_86 = vector.load %arg1[%get3A_84, %get3A_85] : memref<1024x9xi32, #tpu.memory_space<vmem>>, vector<1024x1xi32>
    %get3A_87 = vector.shape_cast %get3A_86 : vector<1024x1xi32> to vector<1024xi32>
    %broadcast_in_dim3A_88 = vector.shape_cast %get3A_87 : vector<1024xi32> to vector<1024x1xi32>
    %eq3A_89 = vector.broadcast %broadcast_in_dim3A_88 : vector<1024x1xi32> to vector<1024x128xi32>
    %eq3A_90 = vector.broadcast %iota3A : vector<1x128xi32> to vector<1024x128xi32>
    %eq3A_91 = arith.cmpi eq, %eq3A_89, %eq3A_90 : vector<1024x128xi32>
    %convert_element_type3A_92 = arith.extui %eq3A_91 : vector<1024x128xi1> to vector<1024x128xi32>
    %convert_element_type3A_93 = arith.sitofp %convert_element_type3A_92 : vector<1024x128xi32> to vector<1024x128xf32>
    %convert_element_type3A_94 = arith.truncf %convert_element_type3A_93 : vector<1024x128xf32> to vector<1024x128xbf16>
    %concatenate3A = tpu.concatenate %convert_element_type3A_6, %convert_element_type3A_17, %convert_element_type3A_28, %convert_element_type3A_39, %convert_element_type3A_50, %convert_element_type3A_61, %convert_element_type3A_72, %convert_element_type3A_83, %convert_element_type3A_94 in 1 : vector<1024x128xbf16>, vector<1024x128xbf16>, vector<1024x128xbf16>, vector<1024x128xbf16>, vector<1024x128xbf16>, vector<1024x128xbf16>, vector<1024x128xbf16>, vector<1024x128xbf16>, vector<1024x128xbf16> -> vector<1024x1152xbf16>
    %get3A_95 = arith.constant 0 : index
    %get3A_96 = arith.constant 0 : index
    %get3A_97 = vector.load %arg2[%get3A_95, %get3A_96] : memref<1152x128xbf16, #tpu.memory_space<vmem>>, vector<1152x128xbf16>
    %dot_general3A = arith.constant dense<0.000000e+00> : vector<1024x128xf32>
    %dot_general3A_98 = tpu.matmul %concatenate3A, %get3A_97, %dot_general3A {dimension_numbers = #tpu.dot_dimension_numbers<[1], [0], [0], [1], [0, 0, 1, 1], [], []>, transpose_lhs_hint = false} : vector<1024x1152xbf16>, vector<1152x128xbf16>, vector<1024x128xf32> -> vector<1024x128xf32>
    %swap3A = arith.constant 0 : index
    %swap3A_99 = arith.constant 0 : index
    %swap3A_100 = vector.load %arg3[%swap3A, %swap3A_99] : memref<1024x128xf32, #tpu.memory_space<vmem>>, vector<1024x128xf32>
    tpu.vector_store %arg3[%swap3A, %swap3A_99], %dot_general3A_98 {strides = array<i32>} : memref<1024x128xf32, #tpu.memory_space<vmem>>, vector<1024x128xf32>,
    return
  }
  func.func @transform_0(%arg0: i32) -> (i32, i32) {
    %c0_i32 = arith.constant 0 : i32
    %c0_i32_0 = arith.constant 0 : i32
    return %arg0, %c0_i32 : i32, i32
  }
  func.func @transform_1(%arg0: i32) -> (i32, i32) {
    %c0_i32 = arith.constant 0 : i32
    %c0_i32_0 = arith.constant 0 : i32
    %c0_i32_1 = arith.constant 0 : i32
    return %c0_i32, %c0_i32_0 : i32, i32
  }
  func.func @transform_2(%arg0: i32) -> (i32, i32) {
    %c0_i32 = arith.constant 0 : i32
    %c0_i32_0 = arith.constant 0 : i32
    return %arg0, %c0_i32 : i32, i32
  }
}

</mosaic_0001>

<sc_bundles>
// kernel: kernel.5.cloned.1.call-start
scs
__scs_entry_jumppad:
0x0: {  	(pc) =	sbr.rel $0x88, $3  }
0x1: {  	(tag) =	ssettag $0x0;
	lr =	simm.s32 $0x1  }
0x2: {  	[smem:$0x3F9F] =	sst lr;
	_ =	strace $0xD0000000  }
0x3: {  	_ = 	snop  }
0x4: {  	_ = 	snop  }
0x5: {  	_ = 	snop  }
0x6: {  	_ = 	snop  }
0x7: {  	_ = 	snop  }
__scs_overlays_trampoline_lowered:
0x8: {  	[smem:$0x3FAE] =	sst s0  }
0x9: {  	[smem:$0x3FAF] =	sst s1  }
0xa: {  	[smem:$0x3FB0] =	sst s2  }
0xb: {  	[smem:$0x3FB1] =	sst s3  }
0xc: {  	[smem:$0x3FB2] =	sst s4  }
0xd: {  	[smem:$0x3FB3] =	sst s5  }
0xe: {  	[smem:$0x3FB4] =	sst s6  }
0xf: {  	[smem:$0x3FB5] =	sst s7  }
0x10: {  	[smem:$0x3FB6] =	sst s8  }
0x11: {  	[smem:$0x3FB7] =	sst s9;
	s0 =	simm.s32 @!p0 $0x0  }
0x12: {  	s1 =	sld [smem:$0x3F9D];
	s0 =	simm.s32 @p0 $0x1  }
0x13: {  	[smem:$0x3FB8] =	sst s0;
	s0 =	simm.s32 @!p1 $0x0  }
0x14: {  	s2 =	sld [smem:$0x3F9C];
	s0 =	simm.s32 @p1 $0x1  }
0x15: {  	[smem:$0x3FB9] =	sst s0;
	s0 =	simm.s32 @!p2 $0x0  }
0x16: {  	s3 =	sld [smem:$0x3FDB];
	s0 =	simm.s32 @p2 $0x1  }
0x17: {  	s4 =	simm.s32 $0x1BF5;
	[smem:$0x3FBB] =	sst s0  }
0x18: {  	s0 =	sld [smem:$0x3F9E];
	_ =	swait.ge [sflag:s4], $0x0  }
0x19: {  	s7 =	sld [smem:$0x3F9F]  }
0x1a: {  	s8 =	sadd.s32 $0xFFFFE003, lr  }
0x1b: {  	s9 =	sadd.s32 $0xFFFFFEF7, lr;
	s5 =	simm.s32 $0xFFFFFFFF;
	p2 =	slt.u32 s8, $0xFFFFF086  }
0x1c: {  	p1 =	slt.u32 s9, $0xF7A;
	s5 =	simm.s32 @!p2 $0x0  }
0x1d: {  	s5 =	simm.s32 @p1 $0x1;
	p0 =	seq.s32 s7, s2  }
0x1e: {  	s7 =	smul.u32 @!p0 $0xF7A, s2;
	p2 =	seq.s32 @!p0 s5, $0x0  }
0x1f: {  	s9 =	smul.u32 $0xF7A, s1;
	s8 =	simm.s32 @!p0 $0x1BF5;
	p2 =	por !p2, p0  }
0x20: {  	[sflag:s8] =	ssyncset.s32 @!p0 $0xFFFFF086;
	s6 =	sadd.s32 @!p0 s3, s7;
	s7 =	simm.s32 @!p0 $0x108  }
0x21: {  	s3 =	sadd.s32 s3, s9;
	s6 =	sadd.s32 @!p0 $0x88, s6;
	s7 =	simm.s32 @p2 $0x1082  }
0x22: {  	[simem:s7], [sflag:s8] =	dma.local @!p0 [hbm:s6], $0xF7A  }
0x23: {  	s9 =	sor.u32 $0xD0000000, s2;
	s6 =	simm.s32 $0x108;
	_ =	swait.ge @!p0 [sflag:s8], $0x0  }
0x24: {  	s3 =	sadd.s32 $0x88, s3;
	s6 =	simm.s32 @!p1 $0x1082;
	[sflag:s4] =	ssyncset.s32 $0xFFFFF086  }
0x25: {  	[simem:s6], [sflag:s4] =	dma.local [hbm:s3], $0xF7A  }
0x26: {  	[smem:$0x3F9F] =	sst s1;
	(tag) =	ssettag s2;
	_ =	strace s9  }
0x27: {  	s1 =	sld [smem:$0x3FAF]  }
0x28: {  	s2 =	sld [smem:$0x3FB0]  }
0x29: {  	s4 =	sld [smem:$0x3FB2]  }
0x2a: {  	p0 =	seq.s32 s5, $0x0;
	s5 =	sld [smem:$0x3FB3]  }
0x2b: {  	s6 =	sld [smem:$0x3FB4]  }
0x2c: {  	s7 =	sld [smem:$0x3FB5]  }
0x2d: {  	s3 =	simm.s32 $0x108;
	s8 =	sld [smem:$0x3FB6]  }
0x2e: {  	s3 =	simm.s32 @!p0 $0x1082;
	s9 =	sld [smem:$0x3FB7]  }
0x2f: {  	lr =	sadd.s32 s0, s3;
	s0 =	sld [smem:$0x3FAE]  }
0x30: {  	s3 =	sld [smem:$0x3FB1]  }
0x31: {  	[smem:$0x3FBA] =	sst s10  }
0x32: {  	s10 =	sld [smem:$0x3FB8];
	_ =	sdelay $0x3  }
0x33: {  	p0 =	seq.s32 s10, $0x1;
	s10 =	sld [smem:$0x3FBA];
	_ =	sdelay $0x3  }
0x34: {  	[smem:$0x3FBA] =	sst s10  }
0x35: {  	s10 =	sld [smem:$0x3FB9];
	_ =	sdelay $0x3  }
0x36: {  	p1 =	seq.s32 s10, $0x1;
	s10 =	sld [smem:$0x3FBA];
	_ =	sdelay $0x3  }
0x37: {  	[smem:$0x3FBA] =	sst s10  }
0x38: {  	s10 =	sld [smem:$0x3FBB]  }
0x39: {  	_ = 	snop;
	(pc) =	sbr.ind lr, $3  }
0x3a: {  	_ = 	snop  }
0x3b: {  	_ = 	snop  }
0x3c: {  	p2 =	seq.s32 s10, $0x1;
	s10 =	sld [smem:$0x3FBA]  }
0x3d: {  	_ =	shalt  }
0x3e: {  	_ =	shalt  }
0x3f: {  	_ =	shalt  }
0x40: {  	_ =	shalt  }
0x41: {  	_ =	shalt  }
0x42: {  	_ =	shalt  }
0x43: {  	_ =	shalt  }
0x44: {  	_ =	shalt  }
0x45: {  	_ =	shalt  }
0x46: {  	_ =	shalt  }
0x47: {  	_ =	shalt  }
0x48: {  	_ =	shalt  }
0x49: {  	_ =	shalt  }
0x4a: {  	_ =	shalt  }
0x4b: {  	_ =	shalt  }
0x4c: {  	_ =	shalt  }
0x4d: {  	_ =	shalt  }
0x4e: {  	_ =	shalt  }
0x4f: {  	_ =	shalt  }
0x50: {  	_ =	shalt  }
0x51: {  	_ =	shalt  }
0x52: {  	_ =	shalt  }
0x53: {  	_ =	shalt  }
0x54: {  	_ =	shalt  }
0x55: {  	_ =	shalt  }
0x56: {  	_ =	shalt  }
0x57: {  	_ =	shalt  }
0x58: {  	_ =	shalt  }
0x59: {  	_ =	shalt  }
0x5a: {  	_ =	shalt  }
0x5b: {  	_ =	shalt  }
0x5c: {  	_ =	shalt  }
0x5d: {  	_ =	shalt  }
0x5e: {  	_ =	shalt  }
0x5f: {  	_ =	shalt  }
0x60: {  	_ =	shalt  }
0x61: {  	_ =	shalt  }
0x62: {  	_ =	shalt  }
0x63: {  	_ =	shalt  }
0x64: {  	_ =	shalt  }
0x65: {  	_ =	shalt  }
0x66: {  	_ =	shalt  }
0x67: {  	_ =	shalt  }
0x68: {  	_ =	shalt  }
0x69: {  	_ =	shalt  }
0x6a: {  	_ =	shalt  }
0x6b: {  	_ =	shalt  }
0x6c: {  	_ =	shalt  }
0x6d: {  	_ =	shalt  }
0x6e: {  	_ =	shalt  }
0x6f: {  	_ =	shalt  }
0x70: {  	_ =	shalt  }
0x71: {  	_ =	shalt  }
0x72: {  	_ =	shalt  }
0x73: {  	_ =	shalt  }
0x74: {  	_ =	shalt  }
0x75: {  	_ =	shalt  }
0x76: {  	_ =	shalt  }
0x77: {  	_ =	shalt  }
0x78: {  	_ =	shalt  }
0x79: {  	_ =	shalt  }
0x7a: {  	_ =	shalt  }
0x7b: {  	_ =	shalt  }
0x7c: {  	_ =	shalt  }
0x7d: {  	_ =	shalt  }
0x7e: {  	_ =	shalt  }
0x7f: {  	_ =	shalt  }
0x80: {  	_ =	shalt  }
0x81: {  	_ =	shalt  }
0x82: {  	_ =	shalt  }
0x83: {  	_ =	shalt  }
0x84: {  	_ =	shalt  }
0x85: {  	_ =	shalt  }
0x86: {  	_ =	shalt  }
0x87: {  	_ =	shalt  }
.Lfunc_end0:
.L_simem_size_0:
called_computation_lowered:
.L_overlay_start_0:
0x88: {  	s2 =	sld [smem:$0x3FD9]  }
0x89: {  	s3 =	sld [smem:$0x3FFE];
	_ =	sdelay $0x1  }
0x8a: {  	s1 =	srdreg.scid  }
0x8b: {  	s0 =	sand.u32 $0x1, s1  }
0x8c: {  	s16 =	sshll.u32 s0, $0xA;
	s2 =	sadd.s32 s3, s2  }
0x8d: {  	s2 =	sadd.s32 s2, s16  }
0x8e: {  	[smem:$0x3FC6] =	sst s2  }
0x8f: {  	_ = 	snop  }
0x90: {  	(tm) =	ssettm $0x1  }
0x91: {  	s17 =	sld [smem:$0x3FFB];
	_ =	sdelay $0x3  }
0x92: {  	_ =	strace s17  }
0x93: {  	s2 =	sld [smem:$0x3FFC];
	_ =	sdelay $0x3  }
0x94: {  	_ =	strace s2  }
0x95: {  	s2 =	sld [smem:$0x3FFD];
	_ =	sdelay $0x3  }
0x96: {  	_ =	strace s2  }
0x97: {  	_ =	strace $0x8FFFFFFF  }
0x98: {  	s18 =	sld [smem:$0x3FDB];
	_ =	sdelay $0x1  }
0x99: {  	s19 =	simm.s32 $_scs_section_size  }
0x9a: {  	s4 =	simm.s32 $_size__tile_overlayer_lowered;
	s5 =	simm.s32 $_tile_overlayer_lowered  }
0x9b: {  	s22 =	simm.s32 $0x1BFF;
	s21 =	sshll.u32 s5, $0x1;
	s2 =	sadd.s32 s19, s18  }
0x9c: {  	s6 =	simm.s32 $0x0;
	s20 =	sshll.u32 s4, $0x1;
	s4 =	sadd.s32 s21, s2  }
0x9d: {  	[timem:s6], [sflag:s22] =	dma.local [hbm:s4], s20  }
0x9e: {  	_ =	swait.ge [sflag:s22], s20  }
0x9f: {  	s3 =	ssub.s32 $0x0, s20;
	[sflag:s22] =	ssyncset.done $0x0  }
0xa0: {  	[sflag:s22] =	ssyncadd.s32 s3;
	_ =	sdelay $0x1  }
0xa1: {  	s23 =	simm.s32 $0x1B8B  }
0xa2: {  	_ =	swait.ge [sflag:s23], $0x1  }
0xa3: {  	[sflag:s23] =	ssyncset.done $0x0  }
0xa4: {  	s25 =	simm.s32 $0x1B8E;
	s24 =	sld [smem:$0x3FFE];
	[sflag:s23] =	ssyncadd.s32 $0xFFFFFFFF  }
0xa5: {  	s26 =	simm.s32 $execute0_lowered;
	[smem:$0x3FD2] =	sst s25  }
0xa6: {  	s4 =	sshll.u32 s26, $0x1;
	_ =	strace $0x80000046;
	[dreg:$0x1] =	wrdreg $0xFFFFFFFF  }
0xa7: {  	s28 =	simm.s32 $_size_execute0_lowered;
	s2 =	sadd.s32 s2, s4;
	[dreg:$0x0] =	wrdreg $0x0  }
0xa8: {  	s4 =	sshll.u32 s28, $0x1;
	[dreg:$0x2] =	wrdreg s2  }
0xa9: {  	[dreg:$0x3] =	wrdreg s4  }
0xaa: {  	[dreg:$0x4] =	wrdreg $0xC0  }
0xab: {  	_ =	task [dreg:s6], $0x5FFFF  }
0xac: {  	[dreg:$0x1] =	wrdreg $0xFFFFFFFF  }
0xad: {  	[dreg:$0x0] =	wrdreg $0x60  }
0xae: {  	[dreg:$0x2] =	wrdreg s24  }
0xaf: {  	[dreg:$0x3] =	wrdreg $0x155000  }
0xb0: {  	[dreg:$0x4] =	wrdreg $0x9  }
0xb1: {  	_ =	task.clear_ibuf [dreg:s6], $0x5FFFF;
	_ =	strace $0x90000046  }
0xb2: {  	s29 =	simm.s32 $0x9;
	_ =	strace $0x80000048  }
0xb3: {  	_ =	swait.ge [sflag:s29], $0x1  }
0xb4: {  	[sflag:s29] =	ssyncadd.s32 $0xFFFFFFFF  }
0xb5: {  	_ =	strace $0x90000048  }
0xb6: {  	_ =	sfence  }
0xb7: {  	s30 =	sld [smem:$0x0];
	_ =	sdelay $0x2  }
0xb8: {  	s31 =	sshll.u32 s1, $0xD;
	s1 =	sshrl.u32 s1, $0x2  }
0xb9: {  	s3 =	sand.u32 $0x4000, s31;
	s1 =	sadd.s32 s1, s30  }
0xba: {  	s0 =	sor.u32 s3, s0;
	s1 =	sshll.u32 s1, $0x11  }
0xbb: {  	s0 =	sor.u32 s1, s0  }
0xbc: {  	s0 =	sadd.s32 $0x8F2B, s0  }
0xbd: {  	[sflag:s0] =	ssyncadd.remote.s32 $0x1  }
0xbe: {  	_ =	sfence.sel $0xFFFF  }
0xbf: {  	[dreg:$0x0] =	wrdreg $0xFFFFFFFF;
	(pc) =	sbr.abs _section_cstart, $3  }
0xc0: {  	[dreg:$0x1] =	wrdreg $0xFFFFFFFF  }
0xc1: {  	_ =	task.clear_ibuf [dreg:s6], $0x2FFFF;
	_ =	strace $0x9FFFFFFF  }
0xc2: {  	(tm) =	ssettm $0x7FFFFFFF  }
0xc3: {  	_ =	shalt  }
tec
execute0_lowered:
.L_overlay_start_1:
0x0: {  	(tag) =	ssettag $0x1  }
0x1: {  	s0 =	rddreg [dreg:$0x0]  }
0x2: {  	s1 =	rddreg [dreg:$0x1];
	s2 =	simm.s32 $0x0  }
0x3: {  	s3 =	srdreg.scid;
	s10 =	stileid.u32;
	s12 =	simm.s32 $0x1080  }
0x4: {  	s13 =	simm.s32 $0x1100;
	s25 =	simm.s32 $0x1180;
	s29 =	simm.s32 $0x0  }
0x5: {  	[smem:$0x7FF] =	sst s2;
	s4 =	sadd.s32 $0x9E400, s0;
	s5 =	sadd.s32 $0x2000, s0  }
0x6: {  	s6 =	sadd.s32 $0x1800, s0;
	s3 =	sand.u32 $0x1, s3;
	s28 =	sshll.u32 s10, $0x11  }
0x7: {  	_ =	strace $0x80000047;
	[dreg:$0x3] =	wrdreg s6;
	s7 =	ssub.s32 $0x2, s3  }
0x8: {  	s0 =	sadd.s32 s28, s0;
	s6 =	sshll.u32 s10, $0x7;
	[dreg:$0x7] =	wrdreg s12  }
0x9: {  	s30 =	sshll.u32 s3, $0x5;
	s3 =	sshll.u32 s3, $0x10;
	[dreg:$0x8] =	wrdreg s13  }
0xa: {  	[dreg:$0x9] =	wrdreg s25;
	s12 =	simm.s32 $0x1400;
	s13 =	simm.s32 $0x5400  }
0xb: {  	s25 =	simm.s32 $0xB;
	s8 =	sshrl.u32 s7, $0x1;
	s11 =	sor.u32 $0x10, s6  }
0xc: {  	s14 =	sor.u32 $0x20, s6;
	s15 =	sor.u32 $0x30, s6;
	s16 =	sor.u32 $0x40, s6  }
0xd: {  	s17 =	sor.u32 $0x50, s6;
	s18 =	sor.u32 $0x60, s6;
	s19 =	sor.u32 $0x70, s6  }
0xe: {  	s20 =	sor.u32 $0x800, s6;
	s21 =	sor.u32 $0x810, s6;
	s22 =	sor.u32 $0x820, s6  }
0xf: {  	s23 =	sor.u32 $0x830, s6;
	s0 =	sadd.s32 s3, s0;
	s3 =	sor.u32 $0x840, s6  }
0x10: {  	s24 =	sor.u32 $0x850, s6;
	s26 =	sor.u32 $0x860, s6;
	s28 =	sor.u32 $0x870, s6  }
0x11: {  	v15 =	vlaneseq.u32;
	s9 =	ssub.s32 s7, s8;
	s7 =	sshll.u32 s10, $0x6;
	s0 =	sadd.s32 $0xDE400, s0  }
0x12: {  	s10 =	simm.s32 $0x1000;
	v0 =	vor.u32 s11, v15;
	s11 =	simm.s32 $0x80;
	v1 =	vor.u32 s14, v15;
	s14 =	simm.s32 $0x9400  }
0x13: {  	v2 =	vor.u32 s15, v15;
	v3 =	vor.u32 s16, v15;
	s15 =	simm.s32 $0xD400;
	s16 =	simm.s32 $0x11400;
	v4 =	vor.u32 s17, v15;
	s17 =	simm.s32 $0x3  }
0x14: {  	v5 =	vor.u32 s18, v15;
	v6 =	vor.u32 s19, v15;
	s18 =	simm.s32 $0x8;
	s19 =	simm.s32 $0x4;
	v7 =	vor.u32 s20, v15;
	s20 =	simm.s32 $0x5  }
0x15: {  	v8 =	vor.u32 s21, v15;
	v9 =	vor.u32 s22, v15;
	s21 =	simm.s32 $0x6;
	s22 =	simm.s32 $0x7;
	[dreg:$0x5] =	wrdreg s0  }
0x16: {  	s8 =	sor.u32 s30, s7;
	[dreg:$0x6] =	wrdreg s10;
	s30 =	simm.s32 $0x1200  }
0x17: {  	s31 =	sor.u32 $0x1, s8;
	s8 =	sshll.u32 s8, $0x8;
	[dreg:$0xa] =	wrdreg s30  }
0x18: {  	v10 =	vor.u32 s23, v15;
	s23 =	simm.s32 $0x9;
	[dreg:$0x4] =	wrdreg s31;
	s8 =	sadd.s32 s4, s8  }
0x19: {  	v11 =	vor.u32 s3, v15;
	v12 =	vor.u32 s24, v15;
	s24 =	simm.s32 $0xA;
	s31 =	smax.u32 s9, $0x1;
	[dreg:$0xb] =	wrdreg s8  }
0x1a: {  	v13 =	vor.u32 s26, v15;
	v14 =	vor.u32 s28, v15;
	v15 =	vor.u32 s6, v15;
	s26 =	simm.s32 $0xC;
	s10 =	simm.s32 $0x1;
	[dreg:$0xc] =	wrdreg s31  }
.LBB2_1:
0x1b: {  	[tilespmem:$0x15400] =	vst v15  }
0x1c: {  	[tilespmem:$0x15410] =	vst v0  }
0x1d: {  	[tilespmem:$0x15420] =	vst v1  }
0x1e: {  	[tilespmem:$0x15430] =	vst v2  }
0x1f: {  	[tilespmem:$0x15440] =	vst v3  }
0x20: {  	[tilespmem:$0x15450] =	vst v4  }
0x21: {  	[tilespmem:$0x15460] =	vst v5  }
0x22: {  	[tilespmem:$0x15470] =	vst v6  }
0x23: {  	[tilespmem:$0x15480] =	vst v7  }
0x24: {  	[tilespmem:$0x15490] =	vst v8  }
0x25: {  	[tilespmem:$0x154A0] =	vst v9  }
0x26: {  	[tilespmem:$0x154B0] =	vst v10  }
0x27: {  	[tilespmem:$0x154C0] =	vst v11  }
0x28: {  	[tilespmem:$0x154D0] =	vst v12  }
0x29: {  	[tilespmem:$0x154E0] =	vst v13  }
0x2a: {  	[tilespmem:$0x154F0] =	vst v14;
	s0 =	rddreg [dreg:$0xb];
	s31 =	simm.s32 $0x0;
	s30 =	simm.s32 $0x0  }
0x2b: {  	[tilespmem:s2], [sflag:$0x1] =	stream.linear.gather [hbm4b:s0+s2], $0x480, $0x38;
	[tilespmem:$0x1D500] =	vst v63  }
.LBB2_2:
0x2c: {  	_ =	swait.ge [sflag:s10], $0x480  }
0x2d: {  	p0 =	slt.u32 s30, $0x2;
	[sflag:s10] =	ssyncset.done $0x0  }
0x2e: {  	s0 =	simm.s32 @!p0 $0x2;
	[sflag:s10] =	ssyncadd.s32 $0xFFFFFB80  }
0x2f: {  	_ =	swait.ge @!p0 [sflag:s0], $0x800  }
0x30: {  	s3 =	sand.u32 $0x1, s30;
	[sflag:s0] =	ssyncset.done @!p0 $0x0  }
0x31: {  	[sflag:s0] =	ssyncadd.s32 @!p0 $0xFFFFF800;
	s0 =	sshll.u32 s3, $0xB  }
0x32: {  	v16 =	vld [tilespmem:s0+$0x0];
	_ =	sdelay $0x1  }
0x33: {  	v17 =	vld [tilespmem:s0+$0x80];
	_ =	sdelay $0x2  }
0x34: {  	v16 =	vmul.u32 $0x64, v16;
	_ =	sdelay $0x1  }
0x35: {  	v16 =	vadd.s32 v17, v16  }
0x36: {  	[tilespmem:$0x1000] =	vst v16  }
0x37: {  	v16 =	vld [tilespmem:s0+$0x10];
	_ =	sdelay $0x1  }
0x38: {  	v17 =	vld [tilespmem:s0+$0x90];
	_ =	sdelay $0x2  }
0x39: {  	v16 =	vmul.u32 $0x64, v16;
	_ =	sdelay $0x1  }
0x3a: {  	v16 =	vadd.s32 v17, v16  }
0x3b: {  	[tilespmem:$0x1010] =	vst v16  }
0x3c: {  	v16 =	vld [tilespmem:s0+$0x20];
	_ =	sdelay $0x1  }
0x3d: {  	v17 =	vld [tilespmem:s0+$0xA0];
	_ =	sdelay $0x2  }
0x3e: {  	v16 =	vmul.u32 $0x64, v16;
	_ =	sdelay $0x1  }
0x3f: {  	v16 =	vadd.s32 v17, v16  }
0x40: {  	[tilespmem:$0x1020] =	vst v16  }
0x41: {  	v16 =	vld [tilespmem:s0+$0x30];
	_ =	sdelay $0x1  }
0x42: {  	v17 =	vld [tilespmem:s0+$0xB0];
	_ =	sdelay $0x2  }
0x43: {  	v16 =	vmul.u32 $0x64, v16;
	_ =	sdelay $0x1  }
0x44: {  	v16 =	vadd.s32 v17, v16  }
0x45: {  	[tilespmem:$0x1030] =	vst v16  }
0x46: {  	v16 =	vld [tilespmem:s0+$0x40];
	_ =	sdelay $0x1  }
0x47: {  	v17 =	vld [tilespmem:s0+$0xC0];
	_ =	sdelay $0x2  }
0x48: {  	v16 =	vmul.u32 $0x64, v16;
	_ =	sdelay $0x1  }
0x49: {  	v16 =	vadd.s32 v17, v16  }
0x4a: {  	[tilespmem:$0x1040] =	vst v16  }
0x4b: {  	v16 =	vld [tilespmem:s0+$0x50];
	_ =	sdelay $0x1  }
0x4c: {  	v17 =	vld [tilespmem:s0+$0xD0];
	_ =	sdelay $0x2  }
0x4d: {  	v16 =	vmul.u32 $0x64, v16;
	_ =	sdelay $0x1  }
0x4e: {  	v16 =	vadd.s32 v17, v16  }
0x4f: {  	[tilespmem:$0x1050] =	vst v16  }
0x50: {  	v16 =	vld [tilespmem:s0+$0x60];
	_ =	sdelay $0x1  }
0x51: {  	v17 =	vld [tilespmem:s0+$0xE0];
	_ =	sdelay $0x2  }
0x52: {  	v16 =	vmul.u32 $0x64, v16;
	_ =	sdelay $0x1  }
0x53: {  	v16 =	vadd.s32 v17, v16  }
0x54: {  	[tilespmem:$0x1060] =	vst v16  }
0x55: {  	v16 =	vld [tilespmem:s0+$0x70];
	_ =	sdelay $0x1  }
0x56: {  	v17 =	vld [tilespmem:s0+$0xF0];
	_ =	sdelay $0x2  }
0x57: {  	v16 =	vmul.u32 $0x64, v16;
	_ =	sdelay $0x1  }
0x58: {  	v16 =	vadd.s32 v17, v16  }
0x59: {  	s8 =	rddreg [dreg:$0x6];
	[tilespmem:$0x1070] =	vst v16  }
0x5a: {  	[tilespmem:s12], [sflag:$0x3] =	stream.indirect.gather [hbm4b:s5+s11], $0x80, s8, s11, $0xb8;
	[tilespmem:$0x1D500] =	vst v63  }
0x5b: {  	v16 =	vld [tilespmem:s0+$0x100];
	_ =	sdelay $0x1  }
0x5c: {  	v17 =	vld [tilespmem:s0+$0x180];
	_ =	sdelay $0x2  }
0x5d: {  	v16 =	vmul.u32 $0x64, v16;
	_ =	sdelay $0x1  }
0x5e: {  	v16 =	vadd.s32 v16, v17  }
0x5f: {  	v16 =	vadd.s32 $0x2710, v16  }
0x60: {  	[tilespmem:$0x1080] =	vst v16  }
0x61: {  	v16 =	vld [tilespmem:s0+$0x110];
	_ =	sdelay $0x1  }
0x62: {  	v17 =	vld [tilespmem:s0+$0x190];
	_ =	sdelay $0x2  }
0x63: {  	v16 =	vmul.u32 $0x64, v16;
	_ =	sdelay $0x1  }
0x64: {  	v16 =	vadd.s32 v16, v17  }
0x65: {  	v16 =	vadd.s32 $0x2710, v16  }
0x66: {  	[tilespmem:$0x1090] =	vst v16  }
0x67: {  	v16 =	vld [tilespmem:s0+$0x120];
	_ =	sdelay $0x1  }
0x68: {  	v17 =	vld [tilespmem:s0+$0x1A0];
	_ =	sdelay $0x2  }
0x69: {  	v16 =	vmul.u32 $0x64, v16;
	_ =	sdelay $0x1  }
0x6a: {  	v16 =	vadd.s32 v16, v17  }
0x6b: {  	v16 =	vadd.s32 $0x2710, v16  }
0x6c: {  	[tilespmem:$0x10A0] =	vst v16  }
0x6d: {  	v16 =	vld [tilespmem:s0+$0x130];
	_ =	sdelay $0x1  }
0x6e: {  	v17 =	vld [tilespmem:s0+$0x1B0];
	_ =	sdelay $0x2  }
0x6f: {  	v16 =	vmul.u32 $0x64, v16;
	_ =	sdelay $0x1  }
0x70: {  	v16 =	vadd.s32 v16, v17  }
0x71: {  	v16 =	vadd.s32 $0x2710, v16  }
0x72: {  	[tilespmem:$0x10B0] =	vst v16  }
0x73: {  	v16 =	vld [tilespmem:s0+$0x140];
	_ =	sdelay $0x1  }
0x74: {  	v17 =	vld [tilespmem:s0+$0x1C0];
	_ =	sdelay $0x2  }
0x75: {  	v16 =	vmul.u32 $0x64, v16;
	_ =	sdelay $0x1  }
0x76: {  	v16 =	vadd.s32 v16, v17  }
0x77: {  	v16 =	vadd.s32 $0x2710, v16  }
0x78: {  	[tilespmem:$0x10C0] =	vst v16  }
0x79: {  	v16 =	vld [tilespmem:s0+$0x150];
	_ =	sdelay $0x1  }
0x7a: {  	v17 =	vld [tilespmem:s0+$0x1D0];
	_ =	sdelay $0x2  }
0x7b: {  	v16 =	vmul.u32 $0x64, v16;
	_ =	sdelay $0x1  }
0x7c: {  	v16 =	vadd.s32 v16, v17  }
0x7d: {  	v16 =	vadd.s32 $0x2710, v16  }
0x7e: {  	[tilespmem:$0x10D0] =	vst v16  }
0x7f: {  	v16 =	vld [tilespmem:s0+$0x160];
	_ =	sdelay $0x1  }
0x80: {  	v17 =	vld [tilespmem:s0+$0x1E0];
	_ =	sdelay $0x2  }
0x81: {  	v16 =	vmul.u32 $0x64, v16;
	_ =	sdelay $0x1  }
0x82: {  	v16 =	vadd.s32 v16, v17  }
0x83: {  	v16 =	vadd.s32 $0x2710, v16  }
0x84: {  	[tilespmem:$0x10E0] =	vst v16  }
0x85: {  	v16 =	vld [tilespmem:s0+$0x170];
	_ =	sdelay $0x1  }
0x86: {  	v17 =	vld [tilespmem:s0+$0x1F0];
	_ =	sdelay $0x2  }
0x87: {  	v16 =	vmul.u32 $0x64, v16;
	_ =	sdelay $0x1  }
0x88: {  	v16 =	vadd.s32 v16, v17  }
0x89: {  	v16 =	vadd.s32 $0x2710, v16  }
0x8a: {  	s28 =	rddreg [dreg:$0x7];
	[tilespmem:$0x10F0] =	vst v16  }
0x8b: {  	[tilespmem:s13], [sflag:$0x4] =	stream.indirect.gather [hbm4b:s5+s11], $0x80, s28, s11, $0xb8;
	[tilespmem:$0x1D500] =	vst v63  }
0x8c: {  	v16 =	vld [tilespmem:s0+$0x200];
	_ =	sdelay $0x1  }
0x8d: {  	v17 =	vld [tilespmem:s0+$0x280];
	_ =	sdelay $0x2  }
0x8e: {  	v16 =	vmul.u32 $0x64, v16;
	_ =	sdelay $0x1  }
0x8f: {  	v16 =	vadd.s32 v16, v17  }
0x90: {  	v16 =	vadd.s32 $0x4E20, v16  }
0x91: {  	[tilespmem:$0x1100] =	vst v16  }
0x92: {  	v16 =	vld [tilespmem:s0+$0x210];
	_ =	sdelay $0x1  }
0x93: {  	v17 =	vld [tilespmem:s0+$0x290];
	_ =	sdelay $0x2  }
0x94: {  	v16 =	vmul.u32 $0x64, v16;
	_ =	sdelay $0x1  }
0x95: {  	v16 =	vadd.s32 v16, v17  }
0x96: {  	v16 =	vadd.s32 $0x4E20, v16  }
0x97: {  	[tilespmem:$0x1110] =	vst v16  }
0x98: {  	v16 =	vld [tilespmem:s0+$0x220];
	_ =	sdelay $0x1  }
0x99: {  	v17 =	vld [tilespmem:s0+$0x2A0];
	_ =	sdelay $0x2  }
0x9a: {  	v16 =	vmul.u32 $0x64, v16;
	_ =	sdelay $0x1  }
0x9b: {  	v16 =	vadd.s32 v16, v17  }
0x9c: {  	v16 =	vadd.s32 $0x4E20, v16  }
0x9d: {  	[tilespmem:$0x1120] =	vst v16  }
0x9e: {  	v16 =	vld [tilespmem:s0+$0x230];
	_ =	sdelay $0x1  }
0x9f: {  	v17 =	vld [tilespmem:s0+$0x2B0];
	_ =	sdelay $0x2  }
0xa0: {  	v16 =	vmul.u32 $0x64, v16;
	_ =	sdelay $0x1  }
0xa1: {  	v16 =	vadd.s32 v16, v17  }
0xa2: {  	v16 =	vadd.s32 $0x4E20, v16  }
0xa3: {  	[tilespmem:$0x1130] =	vst v16  }
0xa4: {  	v16 =	vld [tilespmem:s0+$0x240];
	_ =	sdelay $0x1  }
0xa5: {  	v17 =	vld [tilespmem:s0+$0x2C0];
	_ =	sdelay $0x2  }
0xa6: {  	v16 =	vmul.u32 $0x64, v16;
	_ =	sdelay $0x1  }
0xa7: {  	v16 =	vadd.s32 v16, v17  }
0xa8: {  	v16 =	vadd.s32 $0x4E20, v16  }
0xa9: {  	[tilespmem:$0x1140] =	vst v16  }
0xaa: {  	v16 =	vld [tilespmem:s0+$0x250];
	_ =	sdelay $0x1  }
0xab: {  	v17 =	vld [tilespmem:s0+$0x2D0];
	_ =	sdelay $0x2  }
0xac: {  	v16 =	vmul.u32 $0x64, v16;
	_ =	sdelay $0x1  }
0xad: {  	v16 =	vadd.s32 v16, v17  }
0xae: {  	v16 =	vadd.s32 $0x4E20, v16  }
0xaf: {  	[tilespmem:$0x1150] =	vst v16  }
0xb0: {  	v16 =	vld [tilespmem:s0+$0x260];
	_ =	sdelay $0x1  }
0xb1: {  	v17 =	vld [tilespmem:s0+$0x2E0];
	_ =	sdelay $0x2  }
0xb2: {  	v16 =	vmul.u32 $0x64, v16;
	_ =	sdelay $0x1  }
0xb3: {  	v16 =	vadd.s32 v16, v17  }
0xb4: {  	v16 =	vadd.s32 $0x4E20, v16  }
0xb5: {  	[tilespmem:$0x1160] =	vst v16  }
0xb6: {  	v16 =	vld [tilespmem:s0+$0x270];
	_ =	sdelay $0x1  }
0xb7: {  	v17 =	vld [tilespmem:s0+$0x2F0];
	_ =	sdelay $0x2  }
0xb8: {  	v16 =	vmul.u32 $0x64, v16;
	_ =	sdelay $0x1  }
0xb9: {  	v16 =	vadd.s32 v16, v17  }
0xba: {  	v16 =	vadd.s32 $0x4E20, v16  }
0xbb: {  	s9 =	rddreg [dreg:$0x8];
	[tilespmem:$0x1170] =	vst v16  }
0xbc: {  	[tilespmem:s14], [sflag:$0x5] =	stream.indirect.gather [hbm4b:s5+s11], $0x80, s9, s11, $0xb8;
	[tilespmem:$0x1D500] =	vst v63  }
0xbd: {  	v16 =	vld [tilespmem:s0+$0x300];
	_ =	sdelay $0x1  }
0xbe: {  	v17 =	vld [tilespmem:s0+$0x380];
	_ =	sdelay $0x2  }
0xbf: {  	v16 =	vmul.u32 $0x64, v16;
	_ =	sdelay $0x1  }
0xc0: {  	v16 =	vadd.s32 v16, v17  }
0xc1: {  	v16 =	vadd.s32 $0x7530, v16  }
0xc2: {  	[tilespmem:$0x1180] =	vst v16  }
0xc3: {  	v16 =	vld [tilespmem:s0+$0x310];
	_ =	sdelay $0x1  }
0xc4: {  	v17 =	vld [tilespmem:s0+$0x390];
	_ =	sdelay $0x2  }
0xc5: {  	v16 =	vmul.u32 $0x64, v16;
	_ =	sdelay $0x1  }
0xc6: {  	v16 =	vadd.s32 v16, v17  }
0xc7: {  	v16 =	vadd.s32 $0x7530, v16  }
0xc8: {  	[tilespmem:$0x1190] =	vst v16  }
0xc9: {  	v16 =	vld [tilespmem:s0+$0x320];
	_ =	sdelay $0x1  }
0xca: {  	v17 =	vld [tilespmem:s0+$0x3A0];
	_ =	sdelay $0x2  }
0xcb: {  	v16 =	vmul.u32 $0x64, v16;
	_ =	sdelay $0x1  }
0xcc: {  	v16 =	vadd.s32 v16, v17  }
0xcd: {  	v16 =	vadd.s32 $0x7530, v16  }
0xce: {  	[tilespmem:$0x11A0] =	vst v16  }
0xcf: {  	v16 =	vld [tilespmem:s0+$0x330];
	_ =	sdelay $0x1  }
0xd0: {  	v17 =	vld [tilespmem:s0+$0x3B0];
	_ =	sdelay $0x2  }
0xd1: {  	v16 =	vmul.u32 $0x64, v16;
	_ =	sdelay $0x1  }
0xd2: {  	v16 =	vadd.s32 v16, v17  }
0xd3: {  	v16 =	vadd.s32 $0x7530, v16  }
0xd4: {  	[tilespmem:$0x11B0] =	vst v16  }
0xd5: {  	v16 =	vld [tilespmem:s0+$0x340];
	_ =	sdelay $0x1  }
0xd6: {  	v17 =	vld [tilespmem:s0+$0x3C0];
	_ =	sdelay $0x2  }
0xd7: {  	v16 =	vmul.u32 $0x64, v16;
	_ =	sdelay $0x1  }
0xd8: {  	v16 =	vadd.s32 v16, v17  }
0xd9: {  	v16 =	vadd.s32 $0x7530, v16  }
0xda: {  	[tilespmem:$0x11C0] =	vst v16  }
0xdb: {  	v16 =	vld [tilespmem:s0+$0x350];
	_ =	sdelay $0x1  }
0xdc: {  	v17 =	vld [tilespmem:s0+$0x3D0];
	_ =	sdelay $0x2  }
0xdd: {  	v16 =	vmul.u32 $0x64, v16;
	_ =	sdelay $0x1  }
0xde: {  	v16 =	vadd.s32 v16, v17  }
0xdf: {  	v16 =	vadd.s32 $0x7530, v16  }
0xe0: {  	[tilespmem:$0x11D0] =	vst v16  }
0xe1: {  	v16 =	vld [tilespmem:s0+$0x360];
	_ =	sdelay $0x1  }
0xe2: {  	v17 =	vld [tilespmem:s0+$0x3E0];
	_ =	sdelay $0x2  }
0xe3: {  	v16 =	vmul.u32 $0x64, v16;
	_ =	sdelay $0x1  }
0xe4: {  	v16 =	vadd.s32 v16, v17  }
0xe5: {  	v16 =	vadd.s32 $0x7530, v16  }
0xe6: {  	[tilespmem:$0x11E0] =	vst v16  }
0xe7: {  	v16 =	vld [tilespmem:s0+$0x370];
	_ =	sdelay $0x1  }
0xe8: {  	v17 =	vld [tilespmem:s0+$0x3F0];
	_ =	sdelay $0x2  }
0xe9: {  	v16 =	vmul.u32 $0x64, v16;
	_ =	sdelay $0x1  }
0xea: {  	v16 =	vadd.s32 v16, v17  }
0xeb: {  	v16 =	vadd.s32 $0x7530, v16  }
0xec: {  	s28 =	rddreg [dreg:$0x9];
	[tilespmem:$0x11F0] =	vst v16  }
0xed: {  	[tilespmem:s15], [sflag:$0x6] =	stream.indirect.gather [hbm4b:s5+s11], $0x80, s28, s11, $0xb8;
	[tilespmem:$0x1D500] =	vst v63  }
0xee: {  	v16 =	vld [tilespmem:s0+$0x400];
	_ =	sdelay $0x4  }
0xef: {  	[tilespmem:$0x1200] =	vst v16  }
0xf0: {  	v16 =	vld [tilespmem:s0+$0x410];
	_ =	sdelay $0x4  }
0xf1: {  	[tilespmem:$0x1210] =	vst v16  }
0xf2: {  	v16 =	vld [tilespmem:s0+$0x420];
	_ =	sdelay $0x4  }
0xf3: {  	[tilespmem:$0x1220] =	vst v16  }
0xf4: {  	v16 =	vld [tilespmem:s0+$0x430];
	_ =	sdelay $0x4  }
0xf5: {  	[tilespmem:$0x1230] =	vst v16  }
0xf6: {  	v16 =	vld [tilespmem:s0+$0x440];
	_ =	sdelay $0x4  }
0xf7: {  	[tilespmem:$0x1240] =	vst v16  }
0xf8: {  	v16 =	vld [tilespmem:s0+$0x450];
	_ =	sdelay $0x4  }
0xf9: {  	[tilespmem:$0x1250] =	vst v16  }
0xfa: {  	v16 =	vld [tilespmem:s0+$0x460];
	_ =	sdelay $0x4  }
0xfb: {  	[tilespmem:$0x1260] =	vst v16  }
0xfc: {  	v16 =	vld [tilespmem:s0+$0x470];
	_ =	sdelay $0x2  }
0xfd: {  	s8 =	rddreg [dreg:$0x3]  }
0xfe: {  	s9 =	rddreg [dreg:$0xa]  }
0xff: {  	s28 =	rddreg [dreg:$0x4];
	[tilespmem:$0x1270] =	vst v16  }
0x100: {  	[tilespmem:s16], [sflag:$0x7] =	stream.indirect.gather [hbm4b:s8+s11], $0x80, s9, s11, $0xb8;
	[tilespmem:$0x1D500] =	vst v63  }
0x101: {  	s8 =	sadd.s32 s30, s28  }
0x102: {  	p0 =	slt.s32 s8, $0x3FF  }
0x103: {  	s8 =	simm.s32 @!p0 $0x3FF  }
0x104: {  	s9 =	sadd.s32 $0x800, s31;
	s8 =	sshll.u32 s8, $0x8  }
0x105: {  	s28 =	sand.u32 $0x800, s9;
	s8 =	sadd.s32 s4, s8  }
0x106: {  	[tilespmem:s28], [sflag:$0x1] =	stream.linear.gather [hbm4b:s8+s2], $0x480, $0x38;
	[tilespmem:$0x1D500] =	vst v63  }
0x107: {  	_ =	swait.ge [sflag:s17], $0x4000  }
0x108: {  	s3 =	sshll.u32 s3, $0x7;
	[sflag:s17] =	ssyncset.done $0x0  }
0x109: {  	s3 =	sor.u32 $0x15400, s3;
	[sflag:s17] =	ssyncadd.s32 $0xFFFFC000  }
0x10a: {  	[spmem:s1] =	stream.indirect.scatter [tilespmem:s12], [sflag:$0x8], $0x80, s3, s11, $0xb8;
	[tilespmem:$0x1D500] =	vst v63  }
0x10b: {  	_ =	swait.ge [sflag:s18], $0x4000  }
0x10c: {  	[sflag:s18] =	ssyncset.done $0x0  }
0x10d: {  	[sflag:s18] =	ssyncadd.s32 $0xFFFFC000  }
0x10e: {  	_ =	swait.ge [sflag:s19], $0x4000  }
0x10f: {  	[sflag:s19] =	ssyncset.done $0x0  }
0x110: {  	[sflag:s19] =	ssyncadd.s32 $0xFFFFC000  }
0x111: {  	[spmem:s1] =	stream.indirect.scatter.add.f32 [tilespmem:s13], [sflag:$0x9], $0x80, s3, s11, $0xb8;
	[tilespmem:$0x1D500] =	vst v63  }
0x112: {  	_ =	swait.ge [sflag:s20], $0x4000  }
0x113: {  	[sflag:s20] =	ssyncset.done $0x0  }
0x114: {  	[sflag:s20] =	ssyncadd.s32 $0xFFFFC000  }
0x115: {  	[spmem:s1] =	stream.indirect.scatter.add.f32 [tilespmem:s14], [sflag:$0xA], $0x80, s3, s11, $0xb8;
	[tilespmem:$0x1D500] =	vst v63  }
0x116: {  	_ =	swait.ge [sflag:s21], $0x4000  }
0x117: {  	[sflag:s21] =	ssyncset.done $0x0  }
0x118: {  	[sflag:s21] =	ssyncadd.s32 $0xFFFFC000  }
0x119: {  	[spmem:s1] =	stream.indirect.scatter.add.f32 [tilespmem:s15], [sflag:$0xB], $0x80, s3, s11, $0xb8;
	[tilespmem:$0x1D500] =	vst v63  }
0x11a: {  	_ =	swait.ge [sflag:s22], $0x4000  }
0x11b: {  	[sflag:s22] =	ssyncset.done $0x0  }
0x11c: {  	[sflag:s22] =	ssyncadd.s32 $0xFFFFC000  }
0x11d: {  	[spmem:s1] =	stream.indirect.scatter.add.f32 [tilespmem:s16], [sflag:$0xC], $0x80, s3, s11, $0xb8;
	[tilespmem:$0x1D500] =	vst v63  }
0x11e: {  	_ =	swait.ge [sflag:s23], $0x4000  }
0x11f: {  	[sflag:s23] =	ssyncset.done $0x0  }
0x120: {  	[sflag:s23] =	ssyncadd.s32 $0xFFFFC000  }
0x121: {  	_ =	swait.ge [sflag:s24], $0x4000  }
0x122: {  	[sflag:s24] =	ssyncset.done $0x0  }
0x123: {  	[sflag:s24] =	ssyncadd.s32 $0xFFFFC000  }
0x124: {  	s0 =	sor.u32 s6, s0;
	s30 =	sadd.s32 $0x1, s30;
	_ =	swait.ge [sflag:s25], $0x4000  }
0x125: {  	s0 =	sshll.u32 s0, $0x7;
	p0 =	sne.s32 s30, $0x20;
	[sflag:s25] =	ssyncset.done $0x0  }
.Ltmp0:
0x126: {  	s0 =	sadd.s32 s0, s1;
	[sflag:s25] =	ssyncadd.s32 $0xFFFFC000;
	(pc) =	sbr.rel @p0 .LBB2_2-.Ltmp0, $4  }
0x127: {  	s0 =	sshrl.u32 s0, $0x3;
	_ =	swait.ge [sflag:s26], $0x4000  }
0x128: {  	s28 =	sor.u32 $0x1C02, s7;
	s8 =	rddreg [dreg:$0x5];
	[sflag:s26] =	ssyncset.done $0x0  }
0x129: {  	[sflag:s26] =	ssyncadd.s32 $0xFFFFC000;
	s3 =	sadd.s32 s31, s8;
	s31 =	smov.u32 s9  }
0x12a: {  	[hbm:s3], [sflag:s28] =	dma.local [spmem:s0], $0x800  }
0x12b: {  	s0 =	simm.s32 $0x2  }
0x12c: {  	_ =	swait.ge [sflag:s0], $0x800  }
0x12d: {  	[sflag:s0] =	ssyncset.done $0x0  }
0x12e: {  	[sflag:s0] =	ssyncadd.s32 $0xFFFFF800  }
0x12f: {  	_ =	swait.ge [sflag:s0], $0x800  }
0x130: {  	[sflag:s0] =	ssyncset.done $0x0  }
0x131: {  	[sflag:s0] =	ssyncadd.s32 $0xFFFFF800  }
0x132: {  	_ =	swait.ge [sflag:s10], $0x480  }
0x133: {  	s29 =	sadd.s32 $0x1, s29;
	s31 =	rddreg [dreg:$0xc]  }
0x134: {  	p0 =	sne.s32 s29, s31  }
.Ltmp1:
0x135: {  	_ = 	snop;
	(pc) =	sbr.rel @p0 .LBB2_1-.Ltmp1, $3  }
0x136: {  	_ =	sdelay $0x1  }
0x137: {  	[sflag:s10] =	ssyncset.done $0x0  }
0x138: {  	[sflag:s10] =	ssyncadd.s32 $0xFFFFFB80  }
0x139: {  	_ =	sfence.sel $0x180000  }
0x13a: {  	[bflag:$0x0] =	sbarrier.arrive $0xFFFF  }
0x13b: {  	_ =	strace $0x90000047  }
0x13c: {  	s0 =	stileid.u32;
	[bflag:$0x2] =	sbarrier.arrive $0xFFFF  }
0x13d: {  	p0 =	sne.s32 s0, $0x0;
	s0 =	rddreg [dreg:$0x2]  }
0x13e: {  	s0 =	sadd.s32 @!p0 $0x100000, s0  }
0x13f: {  	[sflag:s0] =	ssyncadd.tile.s32 @!p0 $0x1;
	_ =	shalt  }
.Lfunc_end2:
_tile_overlayer_lowered:
.L_overlay_start_2:
0x140: {  	(tag) =	ssettag $0x2  }
0x141: {  	s0 =	rddreg [dreg:$0x0];
	s2 =	stileid.u32  }
0x142: {  	s1 =	rddreg [dreg:$0x1];
	p0 =	sne.s32 s2, $0x0  }
0x143: {  	s3 =	rddreg [dreg:$0x2];
	[bflag:$0x3] =	sbarrier.arrive $0xFFFF;
	s2 =	simm.s32 @!p0 $0x1C0D  }
0x144: {  	[timem:s3], [sflag:s2] =	dma.local @!p0 [hbm:s0], s1  }
0x145: {  	s0 =	simm.s32 @!p0 $0xD  }
0x146: {  	_ =	swait.ge @!p0 [sflag:s0], s1  }
0x147: {  	s1 =	ssub.s32 @!p0 $0x0, s1;
	[sflag:s0] =	ssyncset.done @!p0 $0x0  }
0x148: {  	[sflag:s0] =	ssyncadd.s32 @!p0 s1  }
0x149: {  	[bflag:$0x3] =	sbarrier.arrive $0xFFFF  }
0x14a: {  	_ =	shalt  }

</sc_bundles>
